<compile_context>
chip_gen: v7x
topology: tpu7x:2x2x1
jax: 0.10.2.dev20260603
libtpu: 0.0.44.dev20260713+nightly
codegen_flags: <defaults>
</compile_context>

<pallas_src>
import functools

import jax
import jax.numpy as jnp
from jax import lax
from jax.experimental import pallas as pl
from jax.experimental.pallas import tpu as pltpu
from jax.experimental.pallas import tpu_sc as plsc

N_NODES = 10000
N_EDGES = 320000
D_FEAT = 128

B = N_EDGES * 2
NW = 32
BLK = 128
N_BLOCKS = N_EDGES // BLK
FULL = N_BLOCKS // NW
REM = N_BLOCKS - FULL * NW
STAGE_ROWS = 624


def _sc_gather(table, idx3):
    mesh = plsc.VectorSubcoreMesh(core_axis_name="c", subcore_axis_name="s")

    @functools.partial(
        pl.kernel,
        mesh=mesh,
        out_type=jax.ShapeDtypeStruct((B, D_FEAT), jnp.float32),
        scratch_types=[
            pltpu.VMEM_SHARED((N_NODES, D_FEAT), jnp.float32),
            pltpu.VMEM((2, 2, BLK), jnp.int32),
            pltpu.VMEM((2, BLK, D_FEAT), jnp.float32),
            pltpu.VMEM((2, BLK), jnp.int32),
            pltpu.SemaphoreType.DMA,
            pltpu.SemaphoreType.DMA,
            pltpu.SemaphoreType.DMA,
        ],
    )
    def k(table_hbm, idx_hbm, out_hbm, table_s, ib, rows_v, dv, isem, gsem, wsem):
        cid = lax.axis_index("c")
        sid = lax.axis_index("s")
        wid = sid * 2 + cid

        n_stage = jnp.where(sid < 15, STAGE_ROWS, N_NODES - 15 * STAGE_ROWS)
        pltpu.sync_copy(
            table_hbm.at[pl.ds(sid * STAGE_ROWS, n_stage)],
            table_s.at[pl.ds(sid * STAGE_ROWS, n_stage)],
        )

        pltpu.async_copy(idx_hbm.at[wid], ib.at[0], isem)
        plsc.subcore_barrier()

        iota2 = lax.iota(jnp.int32, 16) * 2

        def do_block(i, kb, last):
            r = lax.rem(i, 2)
            pltpu.make_async_copy(idx_hbm.at[kb], ib.at[r], isem).wait()

            @pl.when(jnp.logical_not(last))
            def _():
                pltpu.async_copy(
                    idx_hbm.at[kb + NW], ib.at[1 - r], isem
                )

            for j in range(2):
                @pl.when(i > 0)
                def _():
                    pltpu.make_async_copy(
                        rows_v.at[j], out_hbm.at[dv.at[j]], wsem
                    ).wait()

                pltpu.async_copy(
                    table_s.at[ib.at[r, j]], rows_v.at[j], gsem
                )
                base = kb * (2 * BLK) + j
                for m in range(8):
                    dv[j, pl.ds(m * 16, 16)] = iota2 + (base + 32 * m)
                pltpu.make_async_copy(
                    table_s.at[ib.at[r, j]], rows_v.at[j], gsem
                ).wait()
                pltpu.async_copy(rows_v.at[j], out_hbm.at[dv.at[j]], wsem)

        def body(i, carry):
            do_block(i, wid + i * NW, jnp.logical_and(i == FULL - 1, wid >= REM))
            return carry

        lax.fori_loop(0, FULL, body, 0)

        @pl.when(wid < REM)
        def _():
            do_block(FULL, wid + FULL * NW, True)

        for j in range(2):
            pltpu.make_async_copy(rows_v.at[j], out_hbm.at[dv.at[j]], wsem).wait()

    return k(table, idx3)


def kernel(node_features, edge_list):
    idx3 = (
        edge_list.astype(jnp.int32)
        .reshape(N_BLOCKS, BLK, 2)
        .transpose(0, 2, 1)
    )
    out = _sc_gather(node_features, idx3)
    return out.reshape(N_EDGES, 2, D_FEAT)

# --- scband reference (transcript-rebuilt; emitter-appended) ---
"""Pipeline reference for scband-gather-nodes-66984309948492 (READ-ONLY COPY).

The authoritative reference and input builder live on the scoring server;
editing this copy changes nothing except your own understanding.
"""

import jax, jax.numpy as jnp
import numpy as np

N_NODES = 10000
N_EDGES = 320000
D_FEAT = 128


def setup_inputs(seed: int = 0) -> dict:
    key = jax.random.key(seed)
    k_feat, k_edge = jax.random.split(key)
    node_features = jax.random.normal(k_feat, (N_NODES, D_FEAT), dtype=jnp.float32)
    edge_list = jax.random.randint(k_edge, (N_EDGES, 2), 0, N_NODES, dtype=jnp.int64)
    return {"node_features": node_features, "edge_list": edge_list}


def reference(node_features, edge_list):
    # Faithful translation of GatherNodes.call:
    # ops.take(node_features, edge_list, axis=0) -> [E, 2, d_feat]
    return jnp.take(node_features, edge_list, axis=0)

if __name__ == "__main__":
    import jax
    _d = setup_inputs()
    print(jax.jit(kernel)(*tuple(_d.values())))

</pallas_src>

<mosaic_0001>
#map = affine_map<(d0, d1) -> (0, 0)>
#map1 = affine_map<(d0, d1) -> (0, 0, 0)>
module attributes {stable_mosaic.version = 14 : i64} {
  func.func @k(%arg0: i32, %arg1: i32, %arg2: memref<10000x128xf32, #tpu.memory_space<hbm>>, %arg3: memref<2500x2x128xi32, #tpu.memory_space<hbm>>, %arg4: memref<640000x128xf32, #tpu.memory_space<hbm>>, %arg5: memref<10000x128xf32, #tpu.memory_space<vmem_shared>>, %arg6: memref<2x2x128xi32, #tpu.memory_space<vmem>>, %arg7: memref<2x128x128xf32, #tpu.memory_space<vmem>>, %arg8: memref<2x128xi32, #tpu.memory_space<vmem>>, %arg9: memref<!tpu.dma_semaphore, #tpu.memory_space<semaphore_mem>>, %arg10: memref<!tpu.dma_semaphore, #tpu.memory_space<semaphore_mem>>, %arg11: memref<!tpu.dma_semaphore, #tpu.memory_space<semaphore_mem>>) attributes {dimension_semantics = [#tpu.dimension_semantics<core_parallel>, #tpu.dimension_semantics<subcore_parallel>], iteration_bounds = array<i64: 2, 16>, scalar_prefetch = 0 : i64, scratch_operands = 7 : i64, tpu.core_type = #tpu.core_type<sc_vector_subcore>, window_params = [{transform_indices = #map}, {transform_indices = #map1}, {transform_indices = #map}]} {
    %mul3A = arith.constant 2 : i32
    %mul3A_0 = arith.muli %arg1, %mul3A : i32
    %add3A = arith.addi %mul3A_0, %arg0 : i32
    %lt3A = arith.constant 15 : i32
    %lt3A_1 = arith.cmpi slt, %arg1, %lt3A : i32
    %jit3A = arith.constant 624 : i32
    %jit3A_2 = arith.constant 640 : i32
    %select_n3A = arith.select %lt3A_1, %jit3A, %jit3A_2 : i32
    %mul3A_3 = arith.constant 624 : i32
    %mul3A_4 = arith.muli %arg1, %mul3A_3 : i32
    %mul3A_5 = arith.constant 624 : i32
    %mul3A_6 = arith.muli %arg1, %mul3A_5 : i32
    "tpu.region"() ({
      %run_scoped3A = tpu.sem_alloc : memref<!tpu.dma_semaphore, #tpu.memory_space<semaphore_mem>>
      %dma_start3A_57 = arith.constant 0 : i32
      %dma_start3A_58 = tpu.memref_slice %arg5[%mul3A_6, %dma_start3A_57] <%select_n3A> : memref<10000x128xf32, #tpu.memory_space<vmem_shared>> -> memref<?x128xf32, #tpu.memory_space<vmem_shared>>
      %dma_start3A_59 = arith.constant 0 : i32
      %dma_start3A_60 = tpu.memref_slice %arg2[%mul3A_4, %dma_start3A_59] <%select_n3A> : memref<10000x128xf32, #tpu.memory_space<hbm>> -> memref<?x128xf32, #tpu.memory_space<hbm>>
      tpu.enqueue_dma source(%dma_start3A_60 : memref<?x128xf32, #tpu.memory_space<hbm>>) target(%dma_start3A_58 : memref<?x128xf32, #tpu.memory_space<vmem_shared>>) target_semaphore(%run_scoped3A : memref<!tpu.dma_semaphore, #tpu.memory_space<semaphore_mem>>)
      %dma_wait3A_61 = arith.constant 0 : i32
      %dma_wait3A_62 = tpu.memref_slice %arg5[%mul3A_6, %dma_wait3A_61] <%select_n3A> : memref<10000x128xf32, #tpu.memory_space<vmem_shared>> -> memref<?x128xf32, #tpu.memory_space<vmem_shared>>
      %dma_wait3A_63 = arith.constant 0 : i32
      %dma_wait3A_64 = tpu.memref_slice %arg2[%mul3A_4, %dma_wait3A_63] <%select_n3A> : memref<10000x128xf32, #tpu.memory_space<hbm>> -> memref<?x128xf32, #tpu.memory_space<hbm>>
      tpu.wait_dma2 semaphore(%run_scoped3A : memref<!tpu.dma_semaphore, #tpu.memory_space<semaphore_mem>>) src(%dma_wait3A_64 : memref<?x128xf32, #tpu.memory_space<hbm>>) dst(%dma_wait3A_62 : memref<?x128xf32, #tpu.memory_space<vmem_shared>>)
      tpu.yield
    }) : () -> ()
    %dma_start3A = arith.constant 0 : i32
    %dma_start3A_7 = arith.constant 0 : i32
    %dma_start3A_8 = arith.constant 0 : i32
    %dma_start3A_9 = tpu.memref_slice %arg6[%dma_start3A, %dma_start3A_7, %dma_start3A_8] : memref<2x2x128xi32, #tpu.memory_space<vmem>> -> memref<1x2x128xi32, #tpu.memory_space<vmem>>
    %dma_start3A_10 = tpu.memref_squeeze %dma_start3A_9 : memref<1x2x128xi32, #tpu.memory_space<vmem>> -> memref<2x128xi32, #tpu.memory_space<vmem>>
    %dma_start3A_11 = arith.constant 0 : i32
    %dma_start3A_12 = arith.constant 0 : i32
    %dma_start3A_13 = tpu.memref_slice %arg3[%add3A, %dma_start3A_11, %dma_start3A_12] : memref<2500x2x128xi32, #tpu.memory_space<hbm>> -> memref<1x2x128xi32, #tpu.memory_space<hbm>>
    %dma_start3A_14 = tpu.memref_squeeze %dma_start3A_13 : memref<1x2x128xi32, #tpu.memory_space<hbm>> -> memref<2x128xi32, #tpu.memory_space<hbm>>
    %dma_start3A_15 = arith.constant 0 : i32
    %dma_start3A_16 = arith.constant 0 : i32
    %dma_start3A_17 = tpu.memref_slice %arg6[%dma_start3A, %dma_start3A_15, %dma_start3A_16] : memref<2x2x128xi32, #tpu.memory_space<vmem>> -> memref<1x2x128xi32, #tpu.memory_space<vmem>>
    %dma_start3A_18 = tpu.memref_squeeze %dma_start3A_17 : memref<1x2x128xi32, #tpu.memory_space<vmem>> -> memref<2x128xi32, #tpu.memory_space<vmem>>
    %dma_start3A_19 = arith.constant 0 : i32
    %dma_start3A_20 = arith.constant 0 : i32
    %dma_start3A_21 = tpu.memref_slice %arg3[%add3A, %dma_start3A_19, %dma_start3A_20] : memref<2500x2x128xi32, #tpu.memory_space<hbm>> -> memref<1x2x128xi32, #tpu.memory_space<hbm>>
    %dma_start3A_22 = tpu.memref_squeeze %dma_start3A_21 : memref<1x2x128xi32, #tpu.memory_space<hbm>> -> memref<2x128xi32, #tpu.memory_space<hbm>>
    tpu.enqueue_dma source(%dma_start3A_22 : memref<2x128xi32, #tpu.memory_space<hbm>>) target(%dma_start3A_18 : memref<2x128xi32, #tpu.memory_space<vmem>>) target_semaphore(%arg9 : memref<!tpu.dma_semaphore, #tpu.memory_space<semaphore_mem>>)
    %barrier3A = arith.constant 0 : index
    tpu.barrier barrier_id(%barrier3A)
    %iota3A = tpu.iota {dimensions = array<i32: 0>} : vector<16xi32>
    %mul3A_23 = arith.constant 2 : i32
    %mul3A_24 = vector.broadcast %mul3A_23 : i32 to vector<16xi32>
    %mul3A_25 = arith.muli %iota3A, %mul3A_24 : vector<16xi32>
    %scan3A = arith.constant 0 : i32
    %scan3A_26 = arith.constant 0 : i32
    %scan3A_27 = arith.constant 78 : i32
    %scan3A_28 = arith.addi %scan3A_26, %scan3A_27 : i32
    %scan3A_29 = arith.constant 1 : i32
    scf.for %scan3A_57 = %scan3A_26 to %scan3A_28 step %scan3A_29  : i32 {
      %mul3A_58 = arith.constant 32 : i32
      %mul3A_59 = arith.muli %scan3A_57, %mul3A_58 : i32
      %add3A_60 = arith.addi %add3A, %mul3A_59 : i32
      %eq3A = arith.constant 77 : i32
      %eq3A_61 = arith.cmpi eq, %scan3A_57, %eq3A : i32
      %ge3A = arith.constant 4 : i32
      %ge3A_62 = arith.cmpi sge, %add3A, %ge3A : i32
      %and3A = arith.andi %eq3A_61, %ge3A_62 : i1
      %rem3A = arith.constant 2 : i32
      %rem3A_63 = arith.remsi %scan3A_57, %rem3A : i32
      %dma_wait3A_64 = arith.constant 0 : i32
      %dma_wait3A_65 = arith.constant 0 : i32
      %dma_wait3A_66 = tpu.memref_slice %arg6[%rem3A_63, %dma_wait3A_64, %dma_wait3A_65] : memref<2x2x128xi32, #tpu.memory_space<vmem>> -> memref<1x2x128xi32, #tpu.memory_space<vmem>>
      %dma_wait3A_67 = tpu.memref_squeeze %dma_wait3A_66 : memref<1x2x128xi32, #tpu.memory_space<vmem>> -> memref<2x128xi32, #tpu.memory_space<vmem>>
      %dma_wait3A_68 = arith.constant 0 : i32
      %dma_wait3A_69 = arith.constant 0 : i32
      %dma_wait3A_70 = tpu.memref_slice %arg3[%add3A_60, %dma_wait3A_68, %dma_wait3A_69] : memref<2500x2x128xi32, #tpu.memory_space<hbm>> -> memref<1x2x128xi32, #tpu.memory_space<hbm>>
      %dma_wait3A_71 = tpu.memref_squeeze %dma_wait3A_70 : memref<1x2x128xi32, #tpu.memory_space<hbm>> -> memref<2x128xi32, #tpu.memory_space<hbm>>
      %dma_wait3A_72 = arith.constant 0 : i32
      %dma_wait3A_73 = arith.constant 0 : i32
      %dma_wait3A_74 = tpu.memref_slice %arg6[%rem3A_63, %dma_wait3A_72, %dma_wait3A_73] : memref<2x2x128xi32, #tpu.memory_space<vmem>> -> memref<1x2x128xi32, #tpu.memory_space<vmem>>
      %dma_wait3A_75 = tpu.memref_squeeze %dma_wait3A_74 : memref<1x2x128xi32, #tpu.memory_space<vmem>> -> memref<2x128xi32, #tpu.memory_space<vmem>>
      %dma_wait3A_76 = arith.constant 0 : i32
      %dma_wait3A_77 = arith.constant 0 : i32
      %dma_wait3A_78 = tpu.memref_slice %arg3[%add3A_60, %dma_wait3A_76, %dma_wait3A_77] : memref<2500x2x128xi32, #tpu.memory_space<hbm>> -> memref<1x2x128xi32, #tpu.memory_space<hbm>>
      %dma_wait3A_79 = tpu.memref_squeeze %dma_wait3A_78 : memref<1x2x128xi32, #tpu.memory_space<hbm>> -> memref<2x128xi32, #tpu.memory_space<hbm>>
      tpu.wait_dma2 semaphore(%arg9 : memref<!tpu.dma_semaphore, #tpu.memory_space<semaphore_mem>>) src(%dma_wait3A_79 : memref<2x128xi32, #tpu.memory_space<hbm>>) dst(%dma_wait3A_75 : memref<2x128xi32, #tpu.memory_space<vmem>>)
      %not3A = arith.constant true
      %not3A_80 = arith.xori %and3A, %not3A : i1
      %convert_element_type3A_81 = arith.extui %not3A_80 : i1 to i32
      %cond3A_82 = arith.constant 0 : i32
      %cond3A_83 = arith.cmpi ne, %convert_element_type3A_81, %cond3A_82 : i32
      scf.if %cond3A_83 {
        %add3A_332 = arith.constant 32 : i32
        %add3A_333 = arith.addi %add3A_60, %add3A_332 : i32
        %sub3A = arith.constant 1 : i32
        %sub3A_334 = arith.subi %sub3A, %rem3A_63 : i32
        %dma_start3A_335 = arith.constant 0 : i32
        %dma_start3A_336 = arith.constant 0 : i32
        %dma_start3A_337 = tpu.memref_slice %arg6[%sub3A_334, %dma_start3A_335, %dma_start3A_336] : memref<2x2x128xi32, #tpu.memory_space<vmem>> -> memref<1x2x128xi32, #tpu.memory_space<vmem>>
        %dma_start3A_338 = tpu.memref_squeeze %dma_start3A_337 : memref<1x2x128xi32, #tpu.memory_space<vmem>> -> memref<2x128xi32, #tpu.memory_space<vmem>>
        %dma_start3A_339 = arith.constant 0 : i32
        %dma_start3A_340 = arith.constant 0 : i32
        %dma_start3A_341 = tpu.memref_slice %arg3[%add3A_333, %dma_start3A_339, %dma_start3A_340] : memref<2500x2x128xi32, #tpu.memory_space<hbm>> -> memref<1x2x128xi32, #tpu.memory_space<hbm>>
        %dma_start3A_342 = tpu.memref_squeeze %dma_start3A_341 : memref<1x2x128xi32, #tpu.memory_space<hbm>> -> memref<2x128xi32, #tpu.memory_space<hbm>>
        %dma_start3A_343 = arith.constant 0 : i32
        %dma_start3A_344 = arith.constant 0 : i32
        %dma_start3A_345 = tpu.memref_slice %arg6[%sub3A_334, %dma_start3A_343, %dma_start3A_344] : memref<2x2x128xi32, #tpu.memory_space<vmem>> -> memref<1x2x128xi32, #tpu.memory_space<vmem>>
        %dma_start3A_346 = tpu.memref_squeeze %dma_start3A_345 : memref<1x2x128xi32, #tpu.memory_space<vmem>> -> memref<2x128xi32, #tpu.memory_space<vmem>>
        %dma_start3A_347 = arith.constant 0 : i32
        %dma_start3A_348 = arith.constant 0 : i32
        %dma_start3A_349 = tpu.memref_slice %arg3[%add3A_333, %dma_start3A_347, %dma_start3A_348] : memref<2500x2x128xi32, #tpu.memory_space<hbm>> -> memref<1x2x128xi32, #tpu.memory_space<hbm>>
        %dma_start3A_350 = tpu.memref_squeeze %dma_start3A_349 : memref<1x2x128xi32, #tpu.memory_space<hbm>> -> memref<2x128xi32, #tpu.memory_space<hbm>>
        tpu.enqueue_dma source(%dma_start3A_350 : memref<2x128xi32, #tpu.memory_space<hbm>>) target(%dma_start3A_346 : memref<2x128xi32, #tpu.memory_space<vmem>>) target_semaphore(%arg9 : memref<!tpu.dma_semaphore, #tpu.memory_space<semaphore_mem>>)
      } else {
      }
      %gt3A = arith.constant 0 : i32
      %gt3A_84 = arith.cmpi sgt, %scan3A_57, %gt3A : i32
      %convert_element_type3A_85 = arith.extui %gt3A_84 : i1 to i32
      %cond3A_86 = arith.constant 0 : i32
      %cond3A_87 = arith.cmpi ne, %convert_element_type3A_85, %cond3A_86 : i32
      scf.if %cond3A_87 {
        %dma_wait3A_332 = arith.constant 0 : i32
        %dma_wait3A_333 = arith.constant 0 : i32
        %dma_wait3A_334 = arith.constant 0 : i32
        %dma_wait3A_335 = arith.constant 0 : i32
        %dma_wait3A_336 = tpu.memref_slice %arg7[%dma_wait3A_332, %dma_wait3A_334, %dma_wait3A_335] : memref<2x128x128xf32, #tpu.memory_space<vmem>> -> memref<1x128x128xf32, #tpu.memory_space<vmem>>
        %dma_wait3A_337 = tpu.memref_squeeze %dma_wait3A_336 : memref<1x128x128xf32, #tpu.memory_space<vmem>> -> memref<128x128xf32, #tpu.memory_space<vmem>>
        %dma_wait3A_338 = arith.constant 0 : i32
        %dma_wait3A_339 = tpu.memref_slice %arg8[%dma_wait3A_333, %dma_wait3A_338] : memref<2x128xi32, #tpu.memory_space<vmem>> -> memref<1x128xi32, #tpu.memory_space<vmem>>
        %dma_wait3A_340 = tpu.memref_squeeze %dma_wait3A_339 : memref<1x128xi32, #tpu.memory_space<vmem>> -> memref<128xi32, #tpu.memory_space<vmem>>
        %dma_wait3A_341 = arith.constant 0 : i32
        %dma_wait3A_342 = arith.constant 0 : i32
        %dma_wait3A_343 = tpu.memref_slice %arg4[%dma_wait3A_341, %dma_wait3A_342] : memref<640000x128xf32, #tpu.memory_space<hbm>> -> memref<640000x128xf32, #tpu.memory_space<hbm>>
        tpu.wait_indirect_dma semaphore(%arg11 : memref<!tpu.dma_semaphore, #tpu.memory_space<semaphore_mem>>) src(%dma_wait3A_337 : memref<128x128xf32, #tpu.memory_space<vmem>>) dst(%dma_wait3A_343 : memref<640000x128xf32, #tpu.memory_space<hbm>>)
      } else {
      }
      %dma_start3A_88 = arith.constant 0 : i32
      %dma_start3A_89 = arith.constant 0 : i32
      %dma_start3A_90 = arith.constant 0 : i32
      %dma_start3A_91 = arith.constant 0 : i32
      %dma_start3A_92 = tpu.memref_slice %arg7[%dma_start3A_89, %dma_start3A_90, %dma_start3A_91] : memref<2x128x128xf32, #tpu.memory_space<vmem>> -> memref<1x128x128xf32, #tpu.memory_space<vmem>>
      %dma_start3A_93 = tpu.memref_squeeze %dma_start3A_92 : memref<1x128x128xf32, #tpu.memory_space<vmem>> -> memref<128x128xf32, #tpu.memory_space<vmem>>
      %dma_start3A_94 = arith.constant 0 : i32
      %dma_start3A_95 = tpu.memref_slice %arg6[%rem3A_63, %dma_start3A_88, %dma_start3A_94] : memref<2x2x128xi32, #tpu.memory_space<vmem>> -> memref<1x1x128xi32, #tpu.memory_space<vmem>>
      %dma_start3A_96 = tpu.memref_squeeze %dma_start3A_95 : memref<1x1x128xi32, #tpu.memory_space<vmem>> -> memref<128xi32, #tpu.memory_space<vmem>>
      %dma_start3A_97 = arith.constant 0 : i32
      %dma_start3A_98 = arith.constant 0 : i32
      %dma_start3A_99 = tpu.memref_slice %arg5[%dma_start3A_97, %dma_start3A_98] : memref<10000x128xf32, #tpu.memory_space<vmem_shared>> -> memref<10000x128xf32, #tpu.memory_space<vmem_shared>>
      tpu.enqueue_indirect_dma source(%dma_start3A_99 : memref<10000x128xf32, #tpu.memory_space<vmem_shared>>) target(%dma_start3A_93 : memref<128x128xf32, #tpu.memory_space<vmem>>) offsets(%dma_start3A_96 : memref<128xi32, #tpu.memory_space<vmem>>) semaphore(%arg10 : memref<!tpu.dma_semaphore, #tpu.memory_space<semaphore_mem>>)
      %mul3A_100 = arith.constant 256 : i32
      %mul3A_101 = arith.muli %add3A_60, %mul3A_100 : i32
      %add3A_102 = arith.constant 0 : i32
      %add3A_103 = arith.addi %mul3A_101, %add3A_102 : i32
      %add3A_104 = arith.constant 0 : i32
      %add3A_105 = arith.addi %add3A_103, %add3A_104 : i32
      %add3A_106 = vector.broadcast %add3A_105 : i32 to vector<16xi32>
      %add3A_107 = arith.addi %mul3A_25, %add3A_106 : vector<16xi32>
      %swap3A = arith.constant 0 : i32
      %swap3A_108 = arith.index_cast %swap3A : i32 to index
      %swap3A_109 = arith.constant 0 : index
      %swap3A_110 = tpu.vector_load %arg8[%swap3A_108, %swap3A_109] {strides = array<i32>} : memref<2x128xi32, #tpu.memory_space<vmem>>, vector<1x16xi32>,
      %swap3A_111 = vector.shape_cast %swap3A_110 : vector<1x16xi32> to vector<16xi32>
      %swap3A_112 = vector.shape_cast %add3A_107 : vector<16xi32> to vector<1x16xi32>
      tpu.vector_store %arg8[%swap3A_108, %swap3A_109], %swap3A_112 {strides = array<i32>} : memref<2x128xi32, #tpu.memory_space<vmem>>, vector<1x16xi32>,
      %add3A_113 = arith.constant 32 : i32
      %add3A_114 = arith.addi %add3A_103, %add3A_113 : i32
      %add3A_115 = vector.broadcast %add3A_114 : i32 to vector<16xi32>
      %add3A_116 = arith.addi %mul3A_25, %add3A_115 : vector<16xi32>
      %swap3A_117 = arith.constant 0 : i32
      %swap3A_118 = arith.index_cast %swap3A_117 : i32 to index
      %swap3A_119 = arith.constant 16 : index
      %swap3A_120 = tpu.vector_load %arg8[%swap3A_118, %swap3A_119] {strides = array<i32>} : memref<2x128xi32, #tpu.memory_space<vmem>>, vector<1x16xi32>,
      %swap3A_121 = vector.shape_cast %swap3A_120 : vector<1x16xi32> to vector<16xi32>
      %swap3A_122 = vector.shape_cast %add3A_116 : vector<16xi32> to vector<1x16xi32>
      tpu.vector_store %arg8[%swap3A_118, %swap3A_119], %swap3A_122 {strides = array<i32>} : memref<2x128xi32, #tpu.memory_space<vmem>>, vector<1x16xi32>,
      %add3A_123 = arith.constant 64 : i32
      %add3A_124 = arith.addi %add3A_103, %add3A_123 : i32
      %add3A_125 = vector.broadcast %add3A_124 : i32 to vector<16xi32>
      %add3A_126 = arith.addi %mul3A_25, %add3A_125 : vector<16xi32>
      %swap3A_127 = arith.constant 0 : i32
      %swap3A_128 = arith.index_cast %swap3A_127 : i32 to index
      %swap3A_129 = arith.constant 32 : index
      %swap3A_130 = tpu.vector_load %arg8[%swap3A_128, %swap3A_129] {strides = array<i32>} : memref<2x128xi32, #tpu.memory_space<vmem>>, vector<1x16xi32>,
      %swap3A_131 = vector.shape_cast %swap3A_130 : vector<1x16xi32> to vector<16xi32>
      %swap3A_132 = vector.shape_cast %add3A_126 : vector<16xi32> to vector<1x16xi32>
      tpu.vector_store %arg8[%swap3A_128, %swap3A_129], %swap3A_132 {strides = array<i32>} : memref<2x128xi32, #tpu.memory_space<vmem>>, vector<1x16xi32>,
      %add3A_133 = arith.constant 96 : i32
      %add3A_134 = arith.addi %add3A_103, %add3A_133 : i32
      %add3A_135 = vector.broadcast %add3A_134 : i32 to vector<16xi32>
      %add3A_136 = arith.addi %mul3A_25, %add3A_135 : vector<16xi32>
      %swap3A_137 = arith.constant 0 : i32
      %swap3A_138 = arith.index_cast %swap3A_137 : i32 to index
      %swap3A_139 = arith.constant 48 : index
      %swap3A_140 = tpu.vector_load %arg8[%swap3A_138, %swap3A_139] {strides = array<i32>} : memref<2x128xi32, #tpu.memory_space<vmem>>, vector<1x16xi32>,
      %swap3A_141 = vector.shape_cast %swap3A_140 : vector<1x16xi32> to vector<16xi32>
      %swap3A_142 = vector.shape_cast %add3A_136 : vector<16xi32> to vector<1x16xi32>
      tpu.vector_store %arg8[%swap3A_138, %swap3A_139], %swap3A_142 {strides = array<i32>} : memref<2x128xi32, #tpu.memory_space<vmem>>, vector<1x16xi32>,
      %add3A_143 = arith.constant 128 : i32
      %add3A_144 = arith.addi %add3A_103, %add3A_143 : i32
      %add3A_145 = vector.broadcast %add3A_144 : i32 to vector<16xi32>
      %add3A_146 = arith.addi %mul3A_25, %add3A_145 : vector<16xi32>
      %swap3A_147 = arith.constant 0 : i32
      %swap3A_148 = arith.index_cast %swap3A_147 : i32 to index
      %swap3A_149 = arith.constant 64 : index
      %swap3A_150 = tpu.vector_load %arg8[%swap3A_148, %swap3A_149] {strides = array<i32>} : memref<2x128xi32, #tpu.memory_space<vmem>>, vector<1x16xi32>,
      %swap3A_151 = vector.shape_cast %swap3A_150 : vector<1x16xi32> to vector<16xi32>
      %swap3A_152 = vector.shape_cast %add3A_146 : vector<16xi32> to vector<1x16xi32>
      tpu.vector_store %arg8[%swap3A_148, %swap3A_149], %swap3A_152 {strides = array<i32>} : memref<2x128xi32, #tpu.memory_space<vmem>>, vector<1x16xi32>,
      %add3A_153 = arith.constant 160 : i32
      %add3A_154 = arith.addi %add3A_103, %add3A_153 : i32
      %add3A_155 = vector.broadcast %add3A_154 : i32 to vector<16xi32>
      %add3A_156 = arith.addi %mul3A_25, %add3A_155 : vector<16xi32>
      %swap3A_157 = arith.constant 0 : i32
      %swap3A_158 = arith.index_cast %swap3A_157 : i32 to index
      %swap3A_159 = arith.constant 80 : index
      %swap3A_160 = tpu.vector_load %arg8[%swap3A_158, %swap3A_159] {strides = array<i32>} : memref<2x128xi32, #tpu.memory_space<vmem>>, vector<1x16xi32>,
      %swap3A_161 = vector.shape_cast %swap3A_160 : vector<1x16xi32> to vector<16xi32>
      %swap3A_162 = vector.shape_cast %add3A_156 : vector<16xi32> to vector<1x16xi32>
      tpu.vector_store %arg8[%swap3A_158, %swap3A_159], %swap3A_162 {strides = array<i32>} : memref<2x128xi32, #tpu.memory_space<vmem>>, vector<1x16xi32>,
      %add3A_163 = arith.constant 192 : i32
      %add3A_164 = arith.addi %add3A_103, %add3A_163 : i32
      %add3A_165 = vector.broadcast %add3A_164 : i32 to vector<16xi32>
      %add3A_166 = arith.addi %mul3A_25, %add3A_165 : vector<16xi32>
      %swap3A_167 = arith.constant 0 : i32
      %swap3A_168 = arith.index_cast %swap3A_167 : i32 to index
      %swap3A_169 = arith.constant 96 : index
      %swap3A_170 = tpu.vector_load %arg8[%swap3A_168, %swap3A_169] {strides = array<i32>} : memref<2x128xi32, #tpu.memory_space<vmem>>, vector<1x16xi32>,
      %swap3A_171 = vector.shape_cast %swap3A_170 : vector<1x16xi32> to vector<16xi32>
      %swap3A_172 = vector.shape_cast %add3A_166 : vector<16xi32> to vector<1x16xi32>
      tpu.vector_store %arg8[%swap3A_168, %swap3A_169], %swap3A_172 {strides = array<i32>} : memref<2x128xi32, #tpu.memory_space<vmem>>, vector<1x16xi32>,
      %add3A_173 = arith.constant 224 : i32
      %add3A_174 = arith.addi %add3A_103, %add3A_173 : i32
      %add3A_175 = vector.broadcast %add3A_174 : i32 to vector<16xi32>
      %add3A_176 = arith.addi %mul3A_25, %add3A_175 : vector<16xi32>
      %swap3A_177 = arith.constant 0 : i32
      %swap3A_178 = arith.index_cast %swap3A_177 : i32 to index
      %swap3A_179 = arith.constant 112 : index
      %swap3A_180 = tpu.vector_load %arg8[%swap3A_178, %swap3A_179] {strides = array<i32>} : memref<2x128xi32, #tpu.memory_space<vmem>>, vector<1x16xi32>,
      %swap3A_181 = vector.shape_cast %swap3A_180 : vector<1x16xi32> to vector<16xi32>
      %swap3A_182 = vector.shape_cast %add3A_176 : vector<16xi32> to vector<1x16xi32>
      tpu.vector_store %arg8[%swap3A_178, %swap3A_179], %swap3A_182 {strides = array<i32>} : memref<2x128xi32, #tpu.memory_space<vmem>>, vector<1x16xi32>,
      %dma_wait3A_183 = arith.constant 0 : i32
      %dma_wait3A_184 = arith.constant 0 : i32
      %dma_wait3A_185 = arith.constant 0 : i32
      %dma_wait3A_186 = arith.constant 0 : i32
      %dma_wait3A_187 = tpu.memref_slice %arg7[%dma_wait3A_184, %dma_wait3A_185, %dma_wait3A_186] : memref<2x128x128xf32, #tpu.memory_space<vmem>> -> memref<1x128x128xf32, #tpu.memory_space<vmem>>
      %dma_wait3A_188 = tpu.memref_squeeze %dma_wait3A_187 : memref<1x128x128xf32, #tpu.memory_space<vmem>> -> memref<128x128xf32, #tpu.memory_space<vmem>>
      %dma_wait3A_189 = arith.constant 0 : i32
      %dma_wait3A_190 = tpu.memref_slice %arg6[%rem3A_63, %dma_wait3A_183, %dma_wait3A_189] : memref<2x2x128xi32, #tpu.memory_space<vmem>> -> memref<1x1x128xi32, #tpu.memory_space<vmem>>
      %dma_wait3A_191 = tpu.memref_squeeze %dma_wait3A_190 : memref<1x1x128xi32, #tpu.memory_space<vmem>> -> memref<128xi32, #tpu.memory_space<vmem>>
      %dma_wait3A_192 = arith.constant 0 : i32
      %dma_wait3A_193 = arith.constant 0 : i32
      %dma_wait3A_194 = tpu.memref_slice %arg5[%dma_wait3A_192, %dma_wait3A_193] : memref<10000x128xf32, #tpu.memory_space<vmem_shared>> -> memref<10000x128xf32, #tpu.memory_space<vmem_shared>>
      tpu.wait_indirect_dma semaphore(%arg10 : memref<!tpu.dma_semaphore, #tpu.memory_space<semaphore_mem>>) src(%dma_wait3A_194 : memref<10000x128xf32, #tpu.memory_space<vmem_shared>>) dst(%dma_wait3A_188 : memref<128x128xf32, #tpu.memory_space<vmem>>)
      %dma_start3A_195 = arith.constant 0 : i32
      %dma_start3A_196 = arith.constant 0 : i32
      %dma_start3A_197 = arith.constant 0 : i32
      %dma_start3A_198 = arith.constant 0 : i32
      %dma_start3A_199 = tpu.memref_slice %arg7[%dma_start3A_195, %dma_start3A_197, %dma_start3A_198] : memref<2x128x128xf32, #tpu.memory_space<vmem>> -> memref<1x128x128xf32, #tpu.memory_space<vmem>>
      %dma_start3A_200 = tpu.memref_squeeze %dma_start3A_199 : memref<1x128x128xf32, #tpu.memory_space<vmem>> -> memref<128x128xf32, #tpu.memory_space<vmem>>
      %dma_start3A_201 = arith.constant 0 : i32
      %dma_start3A_202 = tpu.memref_slice %arg8[%dma_start3A_196, %dma_start3A_201] : memref<2x128xi32, #tpu.memory_space<vmem>> -> memref<1x128xi32, #tpu.memory_space<vmem>>
      %dma_start3A_203 = tpu.memref_squeeze %dma_start3A_202 : memref<1x128xi32, #tpu.memory_space<vmem>> -> memref<128xi32, #tpu.memory_space<vmem>>
      %dma_start3A_204 = arith.constant 0 : i32
      %dma_start3A_205 = arith.constant 0 : i32
      %dma_start3A_206 = tpu.memref_slice %arg4[%dma_start3A_204, %dma_start3A_205] : memref<640000x128xf32, #tpu.memory_space<hbm>> -> memref<640000x128xf32, #tpu.memory_space<hbm>>
      tpu.enqueue_indirect_dma source(%dma_start3A_200 : memref<128x128xf32, #tpu.memory_space<vmem>>) target(%dma_start3A_206 : memref<640000x128xf32, #tpu.memory_space<hbm>>) offsets(%dma_start3A_203 : memref<128xi32, #tpu.memory_space<vmem>>) semaphore(%arg11 : memref<!tpu.dma_semaphore, #tpu.memory_space<semaphore_mem>>)
      %gt3A_207 = arith.constant 0 : i32
      %gt3A_208 = arith.cmpi sgt, %scan3A_57, %gt3A_207 : i32
      %convert_element_type3A_209 = arith.extui %gt3A_208 : i1 to i32
      %cond3A_210 = arith.constant 0 : i32
      %cond3A_211 = arith.cmpi ne, %convert_element_type3A_209, %cond3A_210 : i32
      scf.if %cond3A_211 {
        %dma_wait3A_332 = arith.constant 1 : i32
        %dma_wait3A_333 = arith.constant 1 : i32
        %dma_wait3A_334 = arith.constant 0 : i32
        %dma_wait3A_335 = arith.constant 0 : i32
        %dma_wait3A_336 = tpu.memref_slice %arg7[%dma_wait3A_332, %dma_wait3A_334, %dma_wait3A_335] : memref<2x128x128xf32, #tpu.memory_space<vmem>> -> memref<1x128x128xf32, #tpu.memory_space<vmem>>
        %dma_wait3A_337 = tpu.memref_squeeze %dma_wait3A_336 : memref<1x128x128xf32, #tpu.memory_space<vmem>> -> memref<128x128xf32, #tpu.memory_space<vmem>>
        %dma_wait3A_338 = arith.constant 0 : i32
        %dma_wait3A_339 = tpu.memref_slice %arg8[%dma_wait3A_333, %dma_wait3A_338] : memref<2x128xi32, #tpu.memory_space<vmem>> -> memref<1x128xi32, #tpu.memory_space<vmem>>
        %dma_wait3A_340 = tpu.memref_squeeze %dma_wait3A_339 : memref<1x128xi32, #tpu.memory_space<vmem>> -> memref<128xi32, #tpu.memory_space<vmem>>
        %dma_wait3A_341 = arith.constant 0 : i32
        %dma_wait3A_342 = arith.constant 0 : i32
        %dma_wait3A_343 = tpu.memref_slice %arg4[%dma_wait3A_341, %dma_wait3A_342] : memref<640000x128xf32, #tpu.memory_space<hbm>> -> memref<640000x128xf32, #tpu.memory_space<hbm>>
        tpu.wait_indirect_dma semaphore(%arg11 : memref<!tpu.dma_semaphore, #tpu.memory_space<semaphore_mem>>) src(%dma_wait3A_337 : memref<128x128xf32, #tpu.memory_space<vmem>>) dst(%dma_wait3A_343 : memref<640000x128xf32, #tpu.memory_space<hbm>>)
      } else {
      }
      %dma_start3A_212 = arith.constant 1 : i32
      %dma_start3A_213 = arith.constant 1 : i32
      %dma_start3A_214 = arith.constant 0 : i32
      %dma_start3A_215 = arith.constant 0 : i32
      %dma_start3A_216 = tpu.memref_slice %arg7[%dma_start3A_213, %dma_start3A_214, %dma_start3A_215] : memref<2x128x128xf32, #tpu.memory_space<vmem>> -> memref<1x128x128xf32, #tpu.memory_space<vmem>>
      %dma_start3A_217 = tpu.memref_squeeze %dma_start3A_216 : memref<1x128x128xf32, #tpu.memory_space<vmem>> -> memref<128x128xf32, #tpu.memory_space<vmem>>
      %dma_start3A_218 = arith.constant 0 : i32
      %dma_start3A_219 = tpu.memref_slice %arg6[%rem3A_63, %dma_start3A_212, %dma_start3A_218] : memref<2x2x128xi32, #tpu.memory_space<vmem>> -> memref<1x1x128xi32, #tpu.memory_space<vmem>>
      %dma_start3A_220 = tpu.memref_squeeze %dma_start3A_219 : memref<1x1x128xi32, #tpu.memory_space<vmem>> -> memref<128xi32, #tpu.memory_space<vmem>>
      %dma_start3A_221 = arith.constant 0 : i32
      %dma_start3A_222 = arith.constant 0 : i32
      %dma_start3A_223 = tpu.memref_slice %arg5[%dma_start3A_221, %dma_start3A_222] : memref<10000x128xf32, #tpu.memory_space<vmem_shared>> -> memref<10000x128xf32, #tpu.memory_space<vmem_shared>>
      tpu.enqueue_indirect_dma source(%dma_start3A_223 : memref<10000x128xf32, #tpu.memory_space<vmem_shared>>) target(%dma_start3A_217 : memref<128x128xf32, #tpu.memory_space<vmem>>) offsets(%dma_start3A_220 : memref<128xi32, #tpu.memory_space<vmem>>) semaphore(%arg10 : memref<!tpu.dma_semaphore, #tpu.memory_space<semaphore_mem>>)
      %mul3A_224 = arith.constant 256 : i32
      %mul3A_225 = arith.muli %add3A_60, %mul3A_224 : i32
      %add3A_226 = arith.constant 1 : i32
      %add3A_227 = arith.addi %mul3A_225, %add3A_226 : i32
      %add3A_228 = arith.constant 0 : i32
      %add3A_229 = arith.addi %add3A_227, %add3A_228 : i32
      %add3A_230 = vector.broadcast %add3A_229 : i32 to vector<16xi32>
      %add3A_231 = arith.addi %mul3A_25, %add3A_230 : vector<16xi32>
      %swap3A_232 = arith.constant 1 : i32
      %swap3A_233 = arith.index_cast %swap3A_232 : i32 to index
      %swap3A_234 = arith.constant 0 : index
      %swap3A_235 = tpu.vector_load %arg8[%swap3A_233, %swap3A_234] {strides = array<i32>} : memref<2x128xi32, #tpu.memory_space<vmem>>, vector<1x16xi32>,
      %swap3A_236 = vector.shape_cast %swap3A_235 : vector<1x16xi32> to vector<16xi32>
      %swap3A_237 = vector.shape_cast %add3A_231 : vector<16xi32> to vector<1x16xi32>
      tpu.vector_store %arg8[%swap3A_233, %swap3A_234], %swap3A_237 {strides = array<i32>} : memref<2x128xi32, #tpu.memory_space<vmem>>, vector<1x16xi32>,
      %add3A_238 = arith.constant 32 : i32
      %add3A_239 = arith.addi %add3A_227, %add3A_238 : i32
      %add3A_240 = vector.broadcast %add3A_239 : i32 to vector<16xi32>
      %add3A_241 = arith.addi %mul3A_25, %add3A_240 : vector<16xi32>
      %swap3A_242 = arith.constant 1 : i32
      %swap3A_243 = arith.index_cast %swap3A_242 : i32 to index
      %swap3A_244 = arith.constant 16 : index
      %swap3A_245 = tpu.vector_load %arg8[%swap3A_243, %swap3A_244] {strides = array<i32>} : memref<2x128xi32, #tpu.memory_space<vmem>>, vector<1x16xi32>,
      %swap3A_246 = vector.shape_cast %swap3A_245 : vector<1x16xi32> to vector<16xi32>
      %swap3A_247 = vector.shape_cast %add3A_241 : vector<16xi32> to vector<1x16xi32>
      tpu.vector_store %arg8[%swap3A_243, %swap3A_244], %swap3A_247 {strides = array<i32>} : memref<2x128xi32, #tpu.memory_space<vmem>>, vector<1x16xi32>,
      %add3A_248 = arith.constant 64 : i32
      %add3A_249 = arith.addi %add3A_227, %add3A_248 : i32
      %add3A_250 = vector.broadcast %add3A_249 : i32 to vector<16xi32>
      %add3A_251 = arith.addi %mul3A_25, %add3A_250 : vector<16xi32>
      %swap3A_252 = arith.constant 1 : i32
      %swap3A_253 = arith.index_cast %swap3A_252 : i32 to index
      %swap3A_254 = arith.constant 32 : index
      %swap3A_255 = tpu.vector_load %arg8[%swap3A_253, %swap3A_254] {strides = array<i32>} : memref<2x128xi32, #tpu.memory_space<vmem>>, vector<1x16xi32>,
      %swap3A_256 = vector.shape_cast %swap3A_255 : vector<1x16xi32> to vector<16xi32>
      %swap3A_257 = vector.shape_cast %add3A_251 : vector<16xi32> to vector<1x16xi32>
      tpu.vector_store %arg8[%swap3A_253, %swap3A_254], %swap3A_257 {strides = array<i32>} : memref<2x128xi32, #tpu.memory_space<vmem>>, vector<1x16xi32>,
      %add3A_258 = arith.constant 96 : i32
      %add3A_259 = arith.addi %add3A_227, %add3A_258 : i32
      %add3A_260 = vector.broadcast %add3A_259 : i32 to vector<16xi32>
      %add3A_261 = arith.addi %mul3A_25, %add3A_260 : vector<16xi32>
      %swap3A_262 = arith.constant 1 : i32
      %swap3A_263 = arith.index_cast %swap3A_262 : i32 to index
      %swap3A_264 = arith.constant 48 : index
      %swap3A_265 = tpu.vector_load %arg8[%swap3A_263, %swap3A_264] {strides = array<i32>} : memref<2x128xi32, #tpu.memory_space<vmem>>, vector<1x16xi32>,
      %swap3A_266 = vector.shape_cast %swap3A_265 : vector<1x16xi32> to vector<16xi32>
      %swap3A_267 = vector.shape_cast %add3A_261 : vector<16xi32> to vector<1x16xi32>
      tpu.vector_store %arg8[%swap3A_263, %swap3A_264], %swap3A_267 {strides = array<i32>} : memref<2x128xi32, #tpu.memory_space<vmem>>, vector<1x16xi32>,
      %add3A_268 = arith.constant 128 : i32
      %add3A_269 = arith.addi %add3A_227, %add3A_268 : i32
      %add3A_270 = vector.broadcast %add3A_269 : i32 to vector<16xi32>
      %add3A_271 = arith.addi %mul3A_25, %add3A_270 : vector<16xi32>
      %swap3A_272 = arith.constant 1 : i32
      %swap3A_273 = arith.index_cast %swap3A_272 : i32 to index
      %swap3A_274 = arith.constant 64 : index
      %swap3A_275 = tpu.vector_load %arg8[%swap3A_273, %swap3A_274] {strides = array<i32>} : memref<2x128xi32, #tpu.memory_space<vmem>>, vector<1x16xi32>,
      %swap3A_276 = vector.shape_cast %swap3A_275 : vector<1x16xi32> to vector<16xi32>
      %swap3A_277 = vector.shape_cast %add3A_271 : vector<16xi32> to vector<1x16xi32>
      tpu.vector_store %arg8[%swap3A_273, %swap3A_274], %swap3A_277 {strides = array<i32>} : memref<2x128xi32, #tpu.memory_space<vmem>>, vector<1x16xi32>,
      %add3A_278 = arith.constant 160 : i32
      %add3A_279 = arith.addi %add3A_227, %add3A_278 : i32
      %add3A_280 = vector.broadcast %add3A_279 : i32 to vector<16xi32>
      %add3A_281 = arith.addi %mul3A_25, %add3A_280 : vector<16xi32>
      %swap3A_282 = arith.constant 1 : i32
      %swap3A_283 = arith.index_cast %swap3A_282 : i32 to index
      %swap3A_284 = arith.constant 80 : index
      %swap3A_285 = tpu.vector_load %arg8[%swap3A_283, %swap3A_284] {strides = array<i32>} : memref<2x128xi32, #tpu.memory_space<vmem>>, vector<1x16xi32>,
      %swap3A_286 = vector.shape_cast %swap3A_285 : vector<1x16xi32> to vector<16xi32>
      %swap3A_287 = vector.shape_cast %add3A_281 : vector<16xi32> to vector<1x16xi32>
      tpu.vector_store %arg8[%swap3A_283, %swap3A_284], %swap3A_287 {strides = array<i32>} : memref<2x128xi32, #tpu.memory_space<vmem>>, vector<1x16xi32>,
      %add3A_288 = arith.constant 192 : i32
      %add3A_289 = arith.addi %add3A_227, %add3A_288 : i32
      %add3A_290 = vector.broadcast %add3A_289 : i32 to vector<16xi32>
      %add3A_291 = arith.addi %mul3A_25, %add3A_290 : vector<16xi32>
      %swap3A_292 = arith.constant 1 : i32
      %swap3A_293 = arith.index_cast %swap3A_292 : i32 to index
      %swap3A_294 = arith.constant 96 : index
      %swap3A_295 = tpu.vector_load %arg8[%swap3A_293, %swap3A_294] {strides = array<i32>} : memref<2x128xi32, #tpu.memory_space<vmem>>, vector<1x16xi32>,
      %swap3A_296 = vector.shape_cast %swap3A_295 : vector<1x16xi32> to vector<16xi32>
      %swap3A_297 = vector.shape_cast %add3A_291 : vector<16xi32> to vector<1x16xi32>
      tpu.vector_store %arg8[%swap3A_293, %swap3A_294], %swap3A_297 {strides = array<i32>} : memref<2x128xi32, #tpu.memory_space<vmem>>, vector<1x16xi32>,
      %add3A_298 = arith.constant 224 : i32
      %add3A_299 = arith.addi %add3A_227, %add3A_298 : i32
      %add3A_300 = vector.broadcast %add3A_299 : i32 to vector<16xi32>
      %add3A_301 = arith.addi %mul3A_25, %add3A_300 : vector<16xi32>
      %swap3A_302 = arith.constant 1 : i32
      %swap3A_303 = arith.index_cast %swap3A_302 : i32 to index
      %swap3A_304 = arith.constant 112 : index
      %swap3A_305 = tpu.vector_load %arg8[%swap3A_303, %swap3A_304] {strides = array<i32>} : memref<2x128xi32, #tpu.memory_space<vmem>>, vector<1x16xi32>,
      %swap3A_306 = vector.shape_cast %swap3A_305 : vector<1x16xi32> to vector<16xi32>
      %swap3A_307 = vector.shape_cast %add3A_301 : vector<16xi32> to vector<1x16xi32>
      tpu.vector_store %arg8[%swap3A_303, %swap3A_304], %swap3A_307 {strides = array<i32>} : memref<2x128xi32, #tpu.memory_space<vmem>>, vector<1x16xi32>,
      %dma_wait3A_308 = arith.constant 1 : i32
      %dma_wait3A_309 = arith.constant 1 : i32
      %dma_wait3A_310 = arith.constant 0 : i32
      %dma_wait3A_311 = arith.constant 0 : i32
      %dma_wait3A_312 = tpu.memref_slice %arg7[%dma_wait3A_309, %dma_wait3A_310, %dma_wait3A_311] : memref<2x128x128xf32, #tpu.memory_space<vmem>> -> memref<1x128x128xf32, #tpu.memory_space<vmem>>
      %dma_wait3A_313 = tpu.memref_squeeze %dma_wait3A_312 : memref<1x128x128xf32, #tpu.memory_space<vmem>> -> memref<128x128xf32, #tpu.memory_space<vmem>>
      %dma_wait3A_314 = arith.constant 0 : i32
      %dma_wait3A_315 = tpu.memref_slice %arg6[%rem3A_63, %dma_wait3A_308, %dma_wait3A_314] : memref<2x2x128xi32, #tpu.memory_space<vmem>> -> memref<1x1x128xi32, #tpu.memory_space<vmem>>
      %dma_wait3A_316 = tpu.memref_squeeze %dma_wait3A_315 : memref<1x1x128xi32, #tpu.memory_space<vmem>> -> memref<128xi32, #tpu.memory_space<vmem>>
      %dma_wait3A_317 = arith.constant 0 : i32
      %dma_wait3A_318 = arith.constant 0 : i32
      %dma_wait3A_319 = tpu.memref_slice %arg5[%dma_wait3A_317, %dma_wait3A_318] : memref<10000x128xf32, #tpu.memory_space<vmem_shared>> -> memref<10000x128xf32, #tpu.memory_space<vmem_shared>>
      tpu.wait_indirect_dma semaphore(%arg10 : memref<!tpu.dma_semaphore, #tpu.memory_space<semaphore_mem>>) src(%dma_wait3A_319 : memref<10000x128xf32, #tpu.memory_space<vmem_shared>>) dst(%dma_wait3A_313 : memref<128x128xf32, #tpu.memory_space<vmem>>)
      %dma_start3A_320 = arith.constant 1 : i32
      %dma_start3A_321 = arith.constant 1 : i32
      %dma_start3A_322 = arith.constant 0 : i32
      %dma_start3A_323 = arith.constant 0 : i32
      %dma_start3A_324 = tpu.memref_slice %arg7[%dma_start3A_320, %dma_start3A_322, %dma_start3A_323] : memref<2x128x128xf32, #tpu.memory_space<vmem>> -> memref<1x128x128xf32, #tpu.memory_space<vmem>>
      %dma_start3A_325 = tpu.memref_squeeze %dma_start3A_324 : memref<1x128x128xf32, #tpu.memory_space<vmem>> -> memref<128x128xf32, #tpu.memory_space<vmem>>
      %dma_start3A_326 = arith.constant 0 : i32
      %dma_start3A_327 = tpu.memref_slice %arg8[%dma_start3A_321, %dma_start3A_326] : memref<2x128xi32, #tpu.memory_space<vmem>> -> memref<1x128xi32, #tpu.memory_space<vmem>>
      %dma_start3A_328 = tpu.memref_squeeze %dma_start3A_327 : memref<1x128xi32, #tpu.memory_space<vmem>> -> memref<128xi32, #tpu.memory_space<vmem>>
      %dma_start3A_329 = arith.constant 0 : i32
      %dma_start3A_330 = arith.constant 0 : i32
      %dma_start3A_331 = tpu.memref_slice %arg4[%dma_start3A_329, %dma_start3A_330] : memref<640000x128xf32, #tpu.memory_space<hbm>> -> memref<640000x128xf32, #tpu.memory_space<hbm>>
      tpu.enqueue_indirect_dma source(%dma_start3A_325 : memref<128x128xf32, #tpu.memory_space<vmem>>) target(%dma_start3A_331 : memref<640000x128xf32, #tpu.memory_space<hbm>>) offsets(%dma_start3A_328 : memref<128xi32, #tpu.memory_space<vmem>>) semaphore(%arg11 : memref<!tpu.dma_semaphore, #tpu.memory_space<semaphore_mem>>)
    }
    %scan3A_30 = arith.constant 78 : i32
    %lt3A_31 = arith.constant 4 : i32
    %lt3A_32 = arith.cmpi slt, %add3A, %lt3A_31 : i32
    %convert_element_type3A = arith.extui %lt3A_32 : i1 to i32
    %cond3A = arith.constant 0 : i32
    %cond3A_33 = arith.cmpi ne, %convert_element_type3A, %cond3A : i32
    scf.if %cond3A_33 {
      %add3A_57 = arith.constant 2496 : i32
      %add3A_58 = arith.addi %add3A, %add3A_57 : i32
      %rem3A = arith.constant 78 : i32
      %rem3A_59 = arith.constant 2 : i32
      %rem3A_60 = arith.remsi %rem3A, %rem3A_59 : i32
      %dma_wait3A_61 = arith.constant 0 : i32
      %dma_wait3A_62 = arith.constant 0 : i32
      %dma_wait3A_63 = tpu.memref_slice %arg6[%rem3A_60, %dma_wait3A_61, %dma_wait3A_62] : memref<2x2x128xi32, #tpu.memory_space<vmem>> -> memref<1x2x128xi32, #tpu.memory_space<vmem>>
      %dma_wait3A_64 = tpu.memref_squeeze %dma_wait3A_63 : memref<1x2x128xi32, #tpu.memory_space<vmem>> -> memref<2x128xi32, #tpu.memory_space<vmem>>
      %dma_wait3A_65 = arith.constant 0 : i32
      %dma_wait3A_66 = arith.constant 0 : i32
      %dma_wait3A_67 = tpu.memref_slice %arg3[%add3A_58, %dma_wait3A_65, %dma_wait3A_66] : memref<2500x2x128xi32, #tpu.memory_space<hbm>> -> memref<1x2x128xi32, #tpu.memory_space<hbm>>
      %dma_wait3A_68 = tpu.memref_squeeze %dma_wait3A_67 : memref<1x2x128xi32, #tpu.memory_space<hbm>> -> memref<2x128xi32, #tpu.memory_space<hbm>>
      %dma_wait3A_69 = arith.constant 0 : i32
      %dma_wait3A_70 = arith.constant 0 : i32
      %dma_wait3A_71 = tpu.memref_slice %arg6[%rem3A_60, %dma_wait3A_69, %dma_wait3A_70] : memref<2x2x128xi32, #tpu.memory_space<vmem>> -> memref<1x2x128xi32, #tpu.memory_space<vmem>>
      %dma_wait3A_72 = tpu.memref_squeeze %dma_wait3A_71 : memref<1x2x128xi32, #tpu.memory_space<vmem>> -> memref<2x128xi32, #tpu.memory_space<vmem>>
      %dma_wait3A_73 = arith.constant 0 : i32
      %dma_wait3A_74 = arith.constant 0 : i32
      %dma_wait3A_75 = tpu.memref_slice %arg3[%add3A_58, %dma_wait3A_73, %dma_wait3A_74] : memref<2500x2x128xi32, #tpu.memory_space<hbm>> -> memref<1x2x128xi32, #tpu.memory_space<hbm>>
      %dma_wait3A_76 = tpu.memref_squeeze %dma_wait3A_75 : memref<1x2x128xi32, #tpu.memory_space<hbm>> -> memref<2x128xi32, #tpu.memory_space<hbm>>
      tpu.wait_dma2 semaphore(%arg9 : memref<!tpu.dma_semaphore, #tpu.memory_space<semaphore_mem>>) src(%dma_wait3A_76 : memref<2x128xi32, #tpu.memory_space<hbm>>) dst(%dma_wait3A_72 : memref<2x128xi32, #tpu.memory_space<vmem>>)
      %not3A = arith.constant true
      %not3A_77 = arith.constant true
      %not3A_78 = arith.xori %not3A, %not3A_77 : i1
      %convert_element_type3A_79 = arith.extui %not3A_78 : i1 to i32
      %cond3A_80 = arith.constant 0 : i32
      %cond3A_81 = arith.cmpi ne, %convert_element_type3A_79, %cond3A_80 : i32
      scf.if %cond3A_81 {
        %add3A_345 = arith.constant 32 : i32
        %add3A_346 = arith.addi %add3A_58, %add3A_345 : i32
        %sub3A = arith.constant 1 : i32
        %sub3A_347 = arith.subi %sub3A, %rem3A_60 : i32
        %dma_start3A_348 = arith.constant 0 : i32
        %dma_start3A_349 = arith.constant 0 : i32
        %dma_start3A_350 = tpu.memref_slice %arg6[%sub3A_347, %dma_start3A_348, %dma_start3A_349] : memref<2x2x128xi32, #tpu.memory_space<vmem>> -> memref<1x2x128xi32, #tpu.memory_space<vmem>>
        %dma_start3A_351 = tpu.memref_squeeze %dma_start3A_350 : memref<1x2x128xi32, #tpu.memory_space<vmem>> -> memref<2x128xi32, #tpu.memory_space<vmem>>
        %dma_start3A_352 = arith.constant 0 : i32
        %dma_start3A_353 = arith.constant 0 : i32
        %dma_start3A_354 = tpu.memref_slice %arg3[%add3A_346, %dma_start3A_352, %dma_start3A_353] : memref<2500x2x128xi32, #tpu.memory_space<hbm>> -> memref<1x2x128xi32, #tpu.memory_space<hbm>>
        %dma_start3A_355 = tpu.memref_squeeze %dma_start3A_354 : memref<1x2x128xi32, #tpu.memory_space<hbm>> -> memref<2x128xi32, #tpu.memory_space<hbm>>
        %dma_start3A_356 = arith.constant 0 : i32
        %dma_start3A_357 = arith.constant 0 : i32
        %dma_start3A_358 = tpu.memref_slice %arg6[%sub3A_347, %dma_start3A_356, %dma_start3A_357] : memref<2x2x128xi32, #tpu.memory_space<vmem>> -> memref<1x2x128xi32, #tpu.memory_space<vmem>>
        %dma_start3A_359 = tpu.memref_squeeze %dma_start3A_358 : memref<1x2x128xi32, #tpu.memory_space<vmem>> -> memref<2x128xi32, #tpu.memory_space<vmem>>
        %dma_start3A_360 = arith.constant 0 : i32
        %dma_start3A_361 = arith.constant 0 : i32
        %dma_start3A_362 = tpu.memref_slice %arg3[%add3A_346, %dma_start3A_360, %dma_start3A_361] : memref<2500x2x128xi32, #tpu.memory_space<hbm>> -> memref<1x2x128xi32, #tpu.memory_space<hbm>>
        %dma_start3A_363 = tpu.memref_squeeze %dma_start3A_362 : memref<1x2x128xi32, #tpu.memory_space<hbm>> -> memref<2x128xi32, #tpu.memory_space<hbm>>
        tpu.enqueue_dma source(%dma_start3A_363 : memref<2x128xi32, #tpu.memory_space<hbm>>) target(%dma_start3A_359 : memref<2x128xi32, #tpu.memory_space<vmem>>) target_semaphore(%arg9 : memref<!tpu.dma_semaphore, #tpu.memory_space<semaphore_mem>>)
      } else {
      }
      %dma_wait3A_82 = arith.constant 0 : i32
      %dma_wait3A_83 = arith.constant 0 : i32
      %dma_wait3A_84 = arith.constant 0 : i32
      %dma_wait3A_85 = arith.constant 0 : i32
      %dma_wait3A_86 = tpu.memref_slice %arg7[%dma_wait3A_82, %dma_wait3A_84, %dma_wait3A_85] : memref<2x128x128xf32, #tpu.memory_space<vmem>> -> memref<1x128x128xf32, #tpu.memory_space<vmem>>
      %dma_wait3A_87 = tpu.memref_squeeze %dma_wait3A_86 : memref<1x128x128xf32, #tpu.memory_space<vmem>> -> memref<128x128xf32, #tpu.memory_space<vmem>>
      %dma_wait3A_88 = arith.constant 0 : i32
      %dma_wait3A_89 = tpu.memref_slice %arg8[%dma_wait3A_83, %dma_wait3A_88] : memref<2x128xi32, #tpu.memory_space<vmem>> -> memref<1x128xi32, #tpu.memory_space<vmem>>
      %dma_wait3A_90 = tpu.memref_squeeze %dma_wait3A_89 : memref<1x128xi32, #tpu.memory_space<vmem>> -> memref<128xi32, #tpu.memory_space<vmem>>
      %dma_wait3A_91 = arith.constant 0 : i32
      %dma_wait3A_92 = arith.constant 0 : i32
      %dma_wait3A_93 = tpu.memref_slice %arg4[%dma_wait3A_91, %dma_wait3A_92] : memref<640000x128xf32, #tpu.memory_space<hbm>> -> memref<640000x128xf32, #tpu.memory_space<hbm>>
      tpu.wait_indirect_dma semaphore(%arg11 : memref<!tpu.dma_semaphore, #tpu.memory_space<semaphore_mem>>) src(%dma_wait3A_87 : memref<128x128xf32, #tpu.memory_space<vmem>>) dst(%dma_wait3A_93 : memref<640000x128xf32, #tpu.memory_space<hbm>>)
      %dma_start3A_94 = arith.constant 0 : i32
      %dma_start3A_95 = arith.constant 0 : i32
      %dma_start3A_96 = arith.constant 0 : i32
      %dma_start3A_97 = arith.constant 0 : i32
      %dma_start3A_98 = tpu.memref_slice %arg7[%dma_start3A_95, %dma_start3A_96, %dma_start3A_97] : memref<2x128x128xf32, #tpu.memory_space<vmem>> -> memref<1x128x128xf32, #tpu.memory_space<vmem>>
      %dma_start3A_99 = tpu.memref_squeeze %dma_start3A_98 : memref<1x128x128xf32, #tpu.memory_space<vmem>> -> memref<128x128xf32, #tpu.memory_space<vmem>>
      %dma_start3A_100 = arith.constant 0 : i32
      %dma_start3A_101 = tpu.memref_slice %arg6[%rem3A_60, %dma_start3A_94, %dma_start3A_100] : memref<2x2x128xi32, #tpu.memory_space<vmem>> -> memref<1x1x128xi32, #tpu.memory_space<vmem>>
      %dma_start3A_102 = tpu.memref_squeeze %dma_start3A_101 : memref<1x1x128xi32, #tpu.memory_space<vmem>> -> memref<128xi32, #tpu.memory_space<vmem>>
      %dma_start3A_103 = arith.constant 0 : i32
      %dma_start3A_104 = arith.constant 0 : i32
      %dma_start3A_105 = tpu.memref_slice %arg5[%dma_start3A_103, %dma_start3A_104] : memref<10000x128xf32, #tpu.memory_space<vmem_shared>> -> memref<10000x128xf32, #tpu.memory_space<vmem_shared>>
      tpu.enqueue_indirect_dma source(%dma_start3A_105 : memref<10000x128xf32, #tpu.memory_space<vmem_shared>>) target(%dma_start3A_99 : memref<128x128xf32, #tpu.memory_space<vmem>>) offsets(%dma_start3A_102 : memref<128xi32, #tpu.memory_space<vmem>>) semaphore(%arg10 : memref<!tpu.dma_semaphore, #tpu.memory_space<semaphore_mem>>)
      %mul3A_106 = arith.constant 256 : i32
      %mul3A_107 = arith.muli %add3A_58, %mul3A_106 : i32
      %add3A_108 = arith.constant 0 : i32
      %add3A_109 = arith.addi %mul3A_107, %add3A_108 : i32
      %add3A_110 = arith.constant 0 : i32
      %add3A_111 = arith.addi %add3A_109, %add3A_110 : i32
      %add3A_112 = vector.broadcast %add3A_111 : i32 to vector<16xi32>
      %add3A_113 = arith.addi %mul3A_25, %add3A_112 : vector<16xi32>
      %swap3A = arith.constant 0 : i32
      %swap3A_114 = arith.index_cast %swap3A : i32 to index
      %swap3A_115 = arith.constant 0 : index
      %swap3A_116 = tpu.vector_load %arg8[%swap3A_114, %swap3A_115] {strides = array<i32>} : memref<2x128xi32, #tpu.memory_space<vmem>>, vector<1x16xi32>,
      %swap3A_117 = vector.shape_cast %swap3A_116 : vector<1x16xi32> to vector<16xi32>
      %swap3A_118 = vector.shape_cast %add3A_113 : vector<16xi32> to vector<1x16xi32>
      tpu.vector_store %arg8[%swap3A_114, %swap3A_115], %swap3A_118 {strides = array<i32>} : memref<2x128xi32, #tpu.memory_space<vmem>>, vector<1x16xi32>,
      %add3A_119 = arith.constant 32 : i32
      %add3A_120 = arith.addi %add3A_109, %add3A_119 : i32
      %add3A_121 = vector.broadcast %add3A_120 : i32 to vector<16xi32>
      %add3A_122 = arith.addi %mul3A_25, %add3A_121 : vector<16xi32>
      %swap3A_123 = arith.constant 0 : i32
      %swap3A_124 = arith.index_cast %swap3A_123 : i32 to index
      %swap3A_125 = arith.constant 16 : index
      %swap3A_126 = tpu.vector_load %arg8[%swap3A_124, %swap3A_125] {strides = array<i32>} : memref<2x128xi32, #tpu.memory_space<vmem>>, vector<1x16xi32>,
      %swap3A_127 = vector.shape_cast %swap3A_126 : vector<1x16xi32> to vector<16xi32>
      %swap3A_128 = vector.shape_cast %add3A_122 : vector<16xi32> to vector<1x16xi32>
      tpu.vector_store %arg8[%swap3A_124, %swap3A_125], %swap3A_128 {strides = array<i32>} : memref<2x128xi32, #tpu.memory_space<vmem>>, vector<1x16xi32>,
      %add3A_129 = arith.constant 64 : i32
      %add3A_130 = arith.addi %add3A_109, %add3A_129 : i32
      %add3A_131 = vector.broadcast %add3A_130 : i32 to vector<16xi32>
      %add3A_132 = arith.addi %mul3A_25, %add3A_131 : vector<16xi32>
      %swap3A_133 = arith.constant 0 : i32
      %swap3A_134 = arith.index_cast %swap3A_133 : i32 to index
      %swap3A_135 = arith.constant 32 : index
      %swap3A_136 = tpu.vector_load %arg8[%swap3A_134, %swap3A_135] {strides = array<i32>} : memref<2x128xi32, #tpu.memory_space<vmem>>, vector<1x16xi32>,
      %swap3A_137 = vector.shape_cast %swap3A_136 : vector<1x16xi32> to vector<16xi32>
      %swap3A_138 = vector.shape_cast %add3A_132 : vector<16xi32> to vector<1x16xi32>
      tpu.vector_store %arg8[%swap3A_134, %swap3A_135], %swap3A_138 {strides = array<i32>} : memref<2x128xi32, #tpu.memory_space<vmem>>, vector<1x16xi32>,
      %add3A_139 = arith.constant 96 : i32
      %add3A_140 = arith.addi %add3A_109, %add3A_139 : i32
      %add3A_141 = vector.broadcast %add3A_140 : i32 to vector<16xi32>
      %add3A_142 = arith.addi %mul3A_25, %add3A_141 : vector<16xi32>
      %swap3A_143 = arith.constant 0 : i32
      %swap3A_144 = arith.index_cast %swap3A_143 : i32 to index
      %swap3A_145 = arith.constant 48 : index
      %swap3A_146 = tpu.vector_load %arg8[%swap3A_144, %swap3A_145] {strides = array<i32>} : memref<2x128xi32, #tpu.memory_space<vmem>>, vector<1x16xi32>,
      %swap3A_147 = vector.shape_cast %swap3A_146 : vector<1x16xi32> to vector<16xi32>
      %swap3A_148 = vector.shape_cast %add3A_142 : vector<16xi32> to vector<1x16xi32>
      tpu.vector_store %arg8[%swap3A_144, %swap3A_145], %swap3A_148 {strides = array<i32>} : memref<2x128xi32, #tpu.memory_space<vmem>>, vector<1x16xi32>,
      %add3A_149 = arith.constant 128 : i32
      %add3A_150 = arith.addi %add3A_109, %add3A_149 : i32
      %add3A_151 = vector.broadcast %add3A_150 : i32 to vector<16xi32>
      %add3A_152 = arith.addi %mul3A_25, %add3A_151 : vector<16xi32>
      %swap3A_153 = arith.constant 0 : i32
      %swap3A_154 = arith.index_cast %swap3A_153 : i32 to index
      %swap3A_155 = arith.constant 64 : index
      %swap3A_156 = tpu.vector_load %arg8[%swap3A_154, %swap3A_155] {strides = array<i32>} : memref<2x128xi32, #tpu.memory_space<vmem>>, vector<1x16xi32>,
      %swap3A_157 = vector.shape_cast %swap3A_156 : vector<1x16xi32> to vector<16xi32>
      %swap3A_158 = vector.shape_cast %add3A_152 : vector<16xi32> to vector<1x16xi32>
      tpu.vector_store %arg8[%swap3A_154, %swap3A_155], %swap3A_158 {strides = array<i32>} : memref<2x128xi32, #tpu.memory_space<vmem>>, vector<1x16xi32>,
      %add3A_159 = arith.constant 160 : i32
      %add3A_160 = arith.addi %add3A_109, %add3A_159 : i32
      %add3A_161 = vector.broadcast %add3A_160 : i32 to vector<16xi32>
      %add3A_162 = arith.addi %mul3A_25, %add3A_161 : vector<16xi32>
      %swap3A_163 = arith.constant 0 : i32
      %swap3A_164 = arith.index_cast %swap3A_163 : i32 to index
      %swap3A_165 = arith.constant 80 : index
      %swap3A_166 = tpu.vector_load %arg8[%swap3A_164, %swap3A_165] {strides = array<i32>} : memref<2x128xi32, #tpu.memory_space<vmem>>, vector<1x16xi32>,
      %swap3A_167 = vector.shape_cast %swap3A_166 : vector<1x16xi32> to vector<16xi32>
      %swap3A_168 = vector.shape_cast %add3A_162 : vector<16xi32> to vector<1x16xi32>
      tpu.vector_store %arg8[%swap3A_164, %swap3A_165], %swap3A_168 {strides = array<i32>} : memref<2x128xi32, #tpu.memory_space<vmem>>, vector<1x16xi32>,
      %add3A_169 = arith.constant 192 : i32
      %add3A_170 = arith.addi %add3A_109, %add3A_169 : i32
      %add3A_171 = vector.broadcast %add3A_170 : i32 to vector<16xi32>
      %add3A_172 = arith.addi %mul3A_25, %add3A_171 : vector<16xi32>
      %swap3A_173 = arith.constant 0 : i32
      %swap3A_174 = arith.index_cast %swap3A_173 : i32 to index
      %swap3A_175 = arith.constant 96 : index
      %swap3A_176 = tpu.vector_load %arg8[%swap3A_174, %swap3A_175] {strides = array<i32>} : memref<2x128xi32, #tpu.memory_space<vmem>>, vector<1x16xi32>,
      %swap3A_177 = vector.shape_cast %swap3A_176 : vector<1x16xi32> to vector<16xi32>
      %swap3A_178 = vector.shape_cast %add3A_172 : vector<16xi32> to vector<1x16xi32>
      tpu.vector_store %arg8[%swap3A_174, %swap3A_175], %swap3A_178 {strides = array<i32>} : memref<2x128xi32, #tpu.memory_space<vmem>>, vector<1x16xi32>,
      %add3A_179 = arith.constant 224 : i32
      %add3A_180 = arith.addi %add3A_109, %add3A_179 : i32
      %add3A_181 = vector.broadcast %add3A_180 : i32 to vector<16xi32>
      %add3A_182 = arith.addi %mul3A_25, %add3A_181 : vector<16xi32>
      %swap3A_183 = arith.constant 0 : i32
      %swap3A_184 = arith.index_cast %swap3A_183 : i32 to index
      %swap3A_185 = arith.constant 112 : index
      %swap3A_186 = tpu.vector_load %arg8[%swap3A_184, %swap3A_185] {strides = array<i32>} : memref<2x128xi32, #tpu.memory_space<vmem>>, vector<1x16xi32>,
      %swap3A_187 = vector.shape_cast %swap3A_186 : vector<1x16xi32> to vector<16xi32>
      %swap3A_188 = vector.shape_cast %add3A_182 : vector<16xi32> to vector<1x16xi32>
      tpu.vector_store %arg8[%swap3A_184, %swap3A_185], %swap3A_188 {strides = array<i32>} : memref<2x128xi32, #tpu.memory_space<vmem>>, vector<1x16xi32>,
      %dma_wait3A_189 = arith.constant 0 : i32
      %dma_wait3A_190 = arith.constant 0 : i32
      %dma_wait3A_191 = arith.constant 0 : i32
      %dma_wait3A_192 = arith.constant 0 : i32
      %dma_wait3A_193 = tpu.memref_slice %arg7[%dma_wait3A_190, %dma_wait3A_191, %dma_wait3A_192] : memref<2x128x128xf32, #tpu.memory_space<vmem>> -> memref<1x128x128xf32, #tpu.memory_space<vmem>>
      %dma_wait3A_194 = tpu.memref_squeeze %dma_wait3A_193 : memref<1x128x128xf32, #tpu.memory_space<vmem>> -> memref<128x128xf32, #tpu.memory_space<vmem>>
      %dma_wait3A_195 = arith.constant 0 : i32
      %dma_wait3A_196 = tpu.memref_slice %arg6[%rem3A_60, %dma_wait3A_189, %dma_wait3A_195] : memref<2x2x128xi32, #tpu.memory_space<vmem>> -> memref<1x1x128xi32, #tpu.memory_space<vmem>>
      %dma_wait3A_197 = tpu.memref_squeeze %dma_wait3A_196 : memref<1x1x128xi32, #tpu.memory_space<vmem>> -> memref<128xi32, #tpu.memory_space<vmem>>
      %dma_wait3A_198 = arith.constant 0 : i32
      %dma_wait3A_199 = arith.constant 0 : i32
      %dma_wait3A_200 = tpu.memref_slice %arg5[%dma_wait3A_198, %dma_wait3A_199] : memref<10000x128xf32, #tpu.memory_space<vmem_shared>> -> memref<10000x128xf32, #tpu.memory_space<vmem_shared>>
      tpu.wait_indirect_dma semaphore(%arg10 : memref<!tpu.dma_semaphore, #tpu.memory_space<semaphore_mem>>) src(%dma_wait3A_200 : memref<10000x128xf32, #tpu.memory_space<vmem_shared>>) dst(%dma_wait3A_194 : memref<128x128xf32, #tpu.memory_space<vmem>>)
      %dma_start3A_201 = arith.constant 0 : i32
      %dma_start3A_202 = arith.constant 0 : i32
      %dma_start3A_203 = arith.constant 0 : i32
      %dma_start3A_204 = arith.constant 0 : i32
      %dma_start3A_205 = tpu.memref_slice %arg7[%dma_start3A_201, %dma_start3A_203, %dma_start3A_204] : memref<2x128x128xf32, #tpu.memory_space<vmem>> -> memref<1x128x128xf32, #tpu.memory_space<vmem>>
      %dma_start3A_206 = tpu.memref_squeeze %dma_start3A_205 : memref<1x128x128xf32, #tpu.memory_space<vmem>> -> memref<128x128xf32, #tpu.memory_space<vmem>>
      %dma_start3A_207 = arith.constant 0 : i32
      %dma_start3A_208 = tpu.memref_slice %arg8[%dma_start3A_202, %dma_start3A_207] : memref<2x128xi32, #tpu.memory_space<vmem>> -> memref<1x128xi32, #tpu.memory_space<vmem>>
      %dma_start3A_209 = tpu.memref_squeeze %dma_start3A_208 : memref<1x128xi32, #tpu.memory_space<vmem>> -> memref<128xi32, #tpu.memory_space<vmem>>
      %dma_start3A_210 = arith.constant 0 : i32
      %dma_start3A_211 = arith.constant 0 : i32
      %dma_start3A_212 = tpu.memref_slice %arg4[%dma_start3A_210, %dma_start3A_211] : memref<640000x128xf32, #tpu.memory_space<hbm>> -> memref<640000x128xf32, #tpu.memory_space<hbm>>
      tpu.enqueue_indirect_dma source(%dma_start3A_206 : memref<128x128xf32, #tpu.memory_space<vmem>>) target(%dma_start3A_212 : memref<640000x128xf32, #tpu.memory_space<hbm>>) offsets(%dma_start3A_209 : memref<128xi32, #tpu.memory_space<vmem>>) semaphore(%arg11 : memref<!tpu.dma_semaphore, #tpu.memory_space<semaphore_mem>>)
      %dma_wait3A_213 = arith.constant 1 : i32
      %dma_wait3A_214 = arith.constant 1 : i32
      %dma_wait3A_215 = arith.constant 0 : i32
      %dma_wait3A_216 = arith.constant 0 : i32
      %dma_wait3A_217 = tpu.memref_slice %arg7[%dma_wait3A_213, %dma_wait3A_215, %dma_wait3A_216] : memref<2x128x128xf32, #tpu.memory_space<vmem>> -> memref<1x128x128xf32, #tpu.memory_space<vmem>>
      %dma_wait3A_218 = tpu.memref_squeeze %dma_wait3A_217 : memref<1x128x128xf32, #tpu.memory_space<vmem>> -> memref<128x128xf32, #tpu.memory_space<vmem>>
      %dma_wait3A_219 = arith.constant 0 : i32
      %dma_wait3A_220 = tpu.memref_slice %arg8[%dma_wait3A_214, %dma_wait3A_219] : memref<2x128xi32, #tpu.memory_space<vmem>> -> memref<1x128xi32, #tpu.memory_space<vmem>>
      %dma_wait3A_221 = tpu.memref_squeeze %dma_wait3A_220 : memref<1x128xi32, #tpu.memory_space<vmem>> -> memref<128xi32, #tpu.memory_space<vmem>>
      %dma_wait3A_222 = arith.constant 0 : i32
      %dma_wait3A_223 = arith.constant 0 : i32
      %dma_wait3A_224 = tpu.memref_slice %arg4[%dma_wait3A_222, %dma_wait3A_223] : memref<640000x128xf32, #tpu.memory_space<hbm>> -> memref<640000x128xf32, #tpu.memory_space<hbm>>
      tpu.wait_indirect_dma semaphore(%arg11 : memref<!tpu.dma_semaphore, #tpu.memory_space<semaphore_mem>>) src(%dma_wait3A_218 : memref<128x128xf32, #tpu.memory_space<vmem>>) dst(%dma_wait3A_224 : memref<640000x128xf32, #tpu.memory_space<hbm>>)
      %dma_start3A_225 = arith.constant 1 : i32
      %dma_start3A_226 = arith.constant 1 : i32
      %dma_start3A_227 = arith.constant 0 : i32
      %dma_start3A_228 = arith.constant 0 : i32
      %dma_start3A_229 = tpu.memref_slice %arg7[%dma_start3A_226, %dma_start3A_227, %dma_start3A_228] : memref<2x128x128xf32, #tpu.memory_space<vmem>> -> memref<1x128x128xf32, #tpu.memory_space<vmem>>
      %dma_start3A_230 = tpu.memref_squeeze %dma_start3A_229 : memref<1x128x128xf32, #tpu.memory_space<vmem>> -> memref<128x128xf32, #tpu.memory_space<vmem>>
      %dma_start3A_231 = arith.constant 0 : i32
      %dma_start3A_232 = tpu.memref_slice %arg6[%rem3A_60, %dma_start3A_225, %dma_start3A_231] : memref<2x2x128xi32, #tpu.memory_space<vmem>> -> memref<1x1x128xi32, #tpu.memory_space<vmem>>
      %dma_start3A_233 = tpu.memref_squeeze %dma_start3A_232 : memref<1x1x128xi32, #tpu.memory_space<vmem>> -> memref<128xi32, #tpu.memory_space<vmem>>
      %dma_start3A_234 = arith.constant 0 : i32
      %dma_start3A_235 = arith.constant 0 : i32
      %dma_start3A_236 = tpu.memref_slice %arg5[%dma_start3A_234, %dma_start3A_235] : memref<10000x128xf32, #tpu.memory_space<vmem_shared>> -> memref<10000x128xf32, #tpu.memory_space<vmem_shared>>
      tpu.enqueue_indirect_dma source(%dma_start3A_236 : memref<10000x128xf32, #tpu.memory_space<vmem_shared>>) target(%dma_start3A_230 : memref<128x128xf32, #tpu.memory_space<vmem>>) offsets(%dma_start3A_233 : memref<128xi32, #tpu.memory_space<vmem>>) semaphore(%arg10 : memref<!tpu.dma_semaphore, #tpu.memory_space<semaphore_mem>>)
      %mul3A_237 = arith.constant 256 : i32
      %mul3A_238 = arith.muli %add3A_58, %mul3A_237 : i32
      %add3A_239 = arith.constant 1 : i32
      %add3A_240 = arith.addi %mul3A_238, %add3A_239 : i32
      %add3A_241 = arith.constant 0 : i32
      %add3A_242 = arith.addi %add3A_240, %add3A_241 : i32
      %add3A_243 = vector.broadcast %add3A_242 : i32 to vector<16xi32>
      %add3A_244 = arith.addi %mul3A_25, %add3A_243 : vector<16xi32>
      %swap3A_245 = arith.constant 1 : i32
      %swap3A_246 = arith.index_cast %swap3A_245 : i32 to index
      %swap3A_247 = arith.constant 0 : index
      %swap3A_248 = tpu.vector_load %arg8[%swap3A_246, %swap3A_247] {strides = array<i32>} : memref<2x128xi32, #tpu.memory_space<vmem>>, vector<1x16xi32>,
      %swap3A_249 = vector.shape_cast %swap3A_248 : vector<1x16xi32> to vector<16xi32>
      %swap3A_250 = vector.shape_cast %add3A_244 : vector<16xi32> to vector<1x16xi32>
      tpu.vector_store %arg8[%swap3A_246, %swap3A_247], %swap3A_250 {strides = array<i32>} : memref<2x128xi32, #tpu.memory_space<vmem>>, vector<1x16xi32>,
      %add3A_251 = arith.constant 32 : i32
      %add3A_252 = arith.addi %add3A_240, %add3A_251 : i32
      %add3A_253 = vector.broadcast %add3A_252 : i32 to vector<16xi32>
      %add3A_254 = arith.addi %mul3A_25, %add3A_253 : vector<16xi32>
      %swap3A_255 = arith.constant 1 : i32
      %swap3A_256 = arith.index_cast %swap3A_255 : i32 to index
      %swap3A_257 = arith.constant 16 : index
      %swap3A_258 = tpu.vector_load %arg8[%swap3A_256, %swap3A_257] {strides = array<i32>} : memref<2x128xi32, #tpu.memory_space<vmem>>, vector<1x16xi32>,
      %swap3A_259 = vector.shape_cast %swap3A_258 : vector<1x16xi32> to vector<16xi32>
      %swap3A_260 = vector.shape_cast %add3A_254 : vector<16xi32> to vector<1x16xi32>
      tpu.vector_store %arg8[%swap3A_256, %swap3A_257], %swap3A_260 {strides = array<i32>} : memref<2x128xi32, #tpu.memory_space<vmem>>, vector<1x16xi32>,
      %add3A_261 = arith.constant 64 : i32
      %add3A_262 = arith.addi %add3A_240, %add3A_261 : i32
      %add3A_263 = vector.broadcast %add3A_262 : i32 to vector<16xi32>
      %add3A_264 = arith.addi %mul3A_25, %add3A_263 : vector<16xi32>
      %swap3A_265 = arith.constant 1 : i32
      %swap3A_266 = arith.index_cast %swap3A_265 : i32 to index
      %swap3A_267 = arith.constant 32 : index
      %swap3A_268 = tpu.vector_load %arg8[%swap3A_266, %swap3A_267] {strides = array<i32>} : memref<2x128xi32, #tpu.memory_space<vmem>>, vector<1x16xi32>,
      %swap3A_269 = vector.shape_cast %swap3A_268 : vector<1x16xi32> to vector<16xi32>
      %swap3A_270 = vector.shape_cast %add3A_264 : vector<16xi32> to vector<1x16xi32>
      tpu.vector_store %arg8[%swap3A_266, %swap3A_267], %swap3A_270 {strides = array<i32>} : memref<2x128xi32, #tpu.memory_space<vmem>>, vector<1x16xi32>,
      %add3A_271 = arith.constant 96 : i32
      %add3A_272 = arith.addi %add3A_240, %add3A_271 : i32
      %add3A_273 = vector.broadcast %add3A_272 : i32 to vector<16xi32>
      %add3A_274 = arith.addi %mul3A_25, %add3A_273 : vector<16xi32>
      %swap3A_275 = arith.constant 1 : i32
      %swap3A_276 = arith.index_cast %swap3A_275 : i32 to index
      %swap3A_277 = arith.constant 48 : index
      %swap3A_278 = tpu.vector_load %arg8[%swap3A_276, %swap3A_277] {strides = array<i32>} : memref<2x128xi32, #tpu.memory_space<vmem>>, vector<1x16xi32>,
      %swap3A_279 = vector.shape_cast %swap3A_278 : vector<1x16xi32> to vector<16xi32>
      %swap3A_280 = vector.shape_cast %add3A_274 : vector<16xi32> to vector<1x16xi32>
      tpu.vector_store %arg8[%swap3A_276, %swap3A_277], %swap3A_280 {strides = array<i32>} : memref<2x128xi32, #tpu.memory_space<vmem>>, vector<1x16xi32>,
      %add3A_281 = arith.constant 128 : i32
      %add3A_282 = arith.addi %add3A_240, %add3A_281 : i32
      %add3A_283 = vector.broadcast %add3A_282 : i32 to vector<16xi32>
      %add3A_284 = arith.addi %mul3A_25, %add3A_283 : vector<16xi32>
      %swap3A_285 = arith.constant 1 : i32
      %swap3A_286 = arith.index_cast %swap3A_285 : i32 to index
      %swap3A_287 = arith.constant 64 : index
      %swap3A_288 = tpu.vector_load %arg8[%swap3A_286, %swap3A_287] {strides = array<i32>} : memref<2x128xi32, #tpu.memory_space<vmem>>, vector<1x16xi32>,
      %swap3A_289 = vector.shape_cast %swap3A_288 : vector<1x16xi32> to vector<16xi32>
      %swap3A_290 = vector.shape_cast %add3A_284 : vector<16xi32> to vector<1x16xi32>
      tpu.vector_store %arg8[%swap3A_286, %swap3A_287], %swap3A_290 {strides = array<i32>} : memref<2x128xi32, #tpu.memory_space<vmem>>, vector<1x16xi32>,
      %add3A_291 = arith.constant 160 : i32
      %add3A_292 = arith.addi %add3A_240, %add3A_291 : i32
      %add3A_293 = vector.broadcast %add3A_292 : i32 to vector<16xi32>
      %add3A_294 = arith.addi %mul3A_25, %add3A_293 : vector<16xi32>
      %swap3A_295 = arith.constant 1 : i32
      %swap3A_296 = arith.index_cast %swap3A_295 : i32 to index
      %swap3A_297 = arith.constant 80 : index
      %swap3A_298 = tpu.vector_load %arg8[%swap3A_296, %swap3A_297] {strides = array<i32>} : memref<2x128xi32, #tpu.memory_space<vmem>>, vector<1x16xi32>,
      %swap3A_299 = vector.shape_cast %swap3A_298 : vector<1x16xi32> to vector<16xi32>
      %swap3A_300 = vector.shape_cast %add3A_294 : vector<16xi32> to vector<1x16xi32>
      tpu.vector_store %arg8[%swap3A_296, %swap3A_297], %swap3A_300 {strides = array<i32>} : memref<2x128xi32, #tpu.memory_space<vmem>>, vector<1x16xi32>,
      %add3A_301 = arith.constant 192 : i32
      %add3A_302 = arith.addi %add3A_240, %add3A_301 : i32
      %add3A_303 = vector.broadcast %add3A_302 : i32 to vector<16xi32>
      %add3A_304 = arith.addi %mul3A_25, %add3A_303 : vector<16xi32>
      %swap3A_305 = arith.constant 1 : i32
      %swap3A_306 = arith.index_cast %swap3A_305 : i32 to index
      %swap3A_307 = arith.constant 96 : index
      %swap3A_308 = tpu.vector_load %arg8[%swap3A_306, %swap3A_307] {strides = array<i32>} : memref<2x128xi32, #tpu.memory_space<vmem>>, vector<1x16xi32>,
      %swap3A_309 = vector.shape_cast %swap3A_308 : vector<1x16xi32> to vector<16xi32>
      %swap3A_310 = vector.shape_cast %add3A_304 : vector<16xi32> to vector<1x16xi32>
      tpu.vector_store %arg8[%swap3A_306, %swap3A_307], %swap3A_310 {strides = array<i32>} : memref<2x128xi32, #tpu.memory_space<vmem>>, vector<1x16xi32>,
      %add3A_311 = arith.constant 224 : i32
      %add3A_312 = arith.addi %add3A_240, %add3A_311 : i32
      %add3A_313 = vector.broadcast %add3A_312 : i32 to vector<16xi32>
      %add3A_314 = arith.addi %mul3A_25, %add3A_313 : vector<16xi32>
      %swap3A_315 = arith.constant 1 : i32
      %swap3A_316 = arith.index_cast %swap3A_315 : i32 to index
      %swap3A_317 = arith.constant 112 : index
      %swap3A_318 = tpu.vector_load %arg8[%swap3A_316, %swap3A_317] {strides = array<i32>} : memref<2x128xi32, #tpu.memory_space<vmem>>, vector<1x16xi32>,
      %swap3A_319 = vector.shape_cast %swap3A_318 : vector<1x16xi32> to vector<16xi32>
      %swap3A_320 = vector.shape_cast %add3A_314 : vector<16xi32> to vector<1x16xi32>
      tpu.vector_store %arg8[%swap3A_316, %swap3A_317], %swap3A_320 {strides = array<i32>} : memref<2x128xi32, #tpu.memory_space<vmem>>, vector<1x16xi32>,
      %dma_wait3A_321 = arith.constant 1 : i32
      %dma_wait3A_322 = arith.constant 1 : i32
      %dma_wait3A_323 = arith.constant 0 : i32
      %dma_wait3A_324 = arith.constant 0 : i32
      %dma_wait3A_325 = tpu.memref_slice %arg7[%dma_wait3A_322, %dma_wait3A_323, %dma_wait3A_324] : memref<2x128x128xf32, #tpu.memory_space<vmem>> -> memref<1x128x128xf32, #tpu.memory_space<vmem>>
      %dma_wait3A_326 = tpu.memref_squeeze %dma_wait3A_325 : memref<1x128x128xf32, #tpu.memory_space<vmem>> -> memref<128x128xf32, #tpu.memory_space<vmem>>
      %dma_wait3A_327 = arith.constant 0 : i32
      %dma_wait3A_328 = tpu.memref_slice %arg6[%rem3A_60, %dma_wait3A_321, %dma_wait3A_327] : memref<2x2x128xi32, #tpu.memory_space<vmem>> -> memref<1x1x128xi32, #tpu.memory_space<vmem>>
      %dma_wait3A_329 = tpu.memref_squeeze %dma_wait3A_328 : memref<1x1x128xi32, #tpu.memory_space<vmem>> -> memref<128xi32, #tpu.memory_space<vmem>>
      %dma_wait3A_330 = arith.constant 0 : i32
      %dma_wait3A_331 = arith.constant 0 : i32
      %dma_wait3A_332 = tpu.memref_slice %arg5[%dma_wait3A_330, %dma_wait3A_331] : memref<10000x128xf32, #tpu.memory_space<vmem_shared>> -> memref<10000x128xf32, #tpu.memory_space<vmem_shared>>
      tpu.wait_indirect_dma semaphore(%arg10 : memref<!tpu.dma_semaphore, #tpu.memory_space<semaphore_mem>>) src(%dma_wait3A_332 : memref<10000x128xf32, #tpu.memory_space<vmem_shared>>) dst(%dma_wait3A_326 : memref<128x128xf32, #tpu.memory_space<vmem>>)
      %dma_start3A_333 = arith.constant 1 : i32
      %dma_start3A_334 = arith.constant 1 : i32
      %dma_start3A_335 = arith.constant 0 : i32
      %dma_start3A_336 = arith.constant 0 : i32
      %dma_start3A_337 = tpu.memref_slice %arg7[%dma_start3A_333, %dma_start3A_335, %dma_start3A_336] : memref<2x128x128xf32, #tpu.memory_space<vmem>> -> memref<1x128x128xf32, #tpu.memory_space<vmem>>
      %dma_start3A_338 = tpu.memref_squeeze %dma_start3A_337 : memref<1x128x128xf32, #tpu.memory_space<vmem>> -> memref<128x128xf32, #tpu.memory_space<vmem>>
      %dma_start3A_339 = arith.constant 0 : i32
      %dma_start3A_340 = tpu.memref_slice %arg8[%dma_start3A_334, %dma_start3A_339] : memref<2x128xi32, #tpu.memory_space<vmem>> -> memref<1x128xi32, #tpu.memory_space<vmem>>
      %dma_start3A_341 = tpu.memref_squeeze %dma_start3A_340 : memref<1x128xi32, #tpu.memory_space<vmem>> -> memref<128xi32, #tpu.memory_space<vmem>>
      %dma_start3A_342 = arith.constant 0 : i32
      %dma_start3A_343 = arith.constant 0 : i32
      %dma_start3A_344 = tpu.memref_slice %arg4[%dma_start3A_342, %dma_start3A_343] : memref<640000x128xf32, #tpu.memory_space<hbm>> -> memref<640000x128xf32, #tpu.memory_space<hbm>>
      tpu.enqueue_indirect_dma source(%dma_start3A_338 : memref<128x128xf32, #tpu.memory_space<vmem>>) target(%dma_start3A_344 : memref<640000x128xf32, #tpu.memory_space<hbm>>) offsets(%dma_start3A_341 : memref<128xi32, #tpu.memory_space<vmem>>) semaphore(%arg11 : memref<!tpu.dma_semaphore, #tpu.memory_space<semaphore_mem>>)
    } else {
    }
    %dma_wait3A = arith.constant 0 : i32
    %dma_wait3A_34 = arith.constant 0 : i32
    %dma_wait3A_35 = arith.constant 0 : i32
    %dma_wait3A_36 = arith.constant 0 : i32
    %dma_wait3A_37 = tpu.memref_slice %arg7[%dma_wait3A, %dma_wait3A_35, %dma_wait3A_36] : memref<2x128x128xf32, #tpu.memory_space<vmem>> -> memref<1x128x128xf32, #tpu.memory_space<vmem>>
    %dma_wait3A_38 = tpu.memref_squeeze %dma_wait3A_37 : memref<1x128x128xf32, #tpu.memory_space<vmem>> -> memref<128x128xf32, #tpu.memory_space<vmem>>
    %dma_wait3A_39 = arith.constant 0 : i32
    %dma_wait3A_40 = tpu.memref_slice %arg8[%dma_wait3A_34, %dma_wait3A_39] : memref<2x128xi32, #tpu.memory_space<vmem>> -> memref<1x128xi32, #tpu.memory_space<vmem>>
    %dma_wait3A_41 = tpu.memref_squeeze %dma_wait3A_40 : memref<1x128xi32, #tpu.memory_space<vmem>> -> memref<128xi32, #tpu.memory_space<vmem>>
    %dma_wait3A_42 = arith.constant 0 : i32
    %dma_wait3A_43 = arith.constant 0 : i32
    %dma_wait3A_44 = tpu.memref_slice %arg4[%dma_wait3A_42, %dma_wait3A_43] : memref<640000x128xf32, #tpu.memory_space<hbm>> -> memref<640000x128xf32, #tpu.memory_space<hbm>>
    tpu.wait_indirect_dma semaphore(%arg11 : memref<!tpu.dma_semaphore, #tpu.memory_space<semaphore_mem>>) src(%dma_wait3A_38 : memref<128x128xf32, #tpu.memory_space<vmem>>) dst(%dma_wait3A_44 : memref<640000x128xf32, #tpu.memory_space<hbm>>)
    %dma_wait3A_45 = arith.constant 1 : i32
    %dma_wait3A_46 = arith.constant 1 : i32
    %dma_wait3A_47 = arith.constant 0 : i32
    %dma_wait3A_48 = arith.constant 0 : i32
    %dma_wait3A_49 = tpu.memref_slice %arg7[%dma_wait3A_45, %dma_wait3A_47, %dma_wait3A_48] : memref<2x128x128xf32, #tpu.memory_space<vmem>> -> memref<1x128x128xf32, #tpu.memory_space<vmem>>
    %dma_wait3A_50 = tpu.memref_squeeze %dma_wait3A_49 : memref<1x128x128xf32, #tpu.memory_space<vmem>> -> memref<128x128xf32, #tpu.memory_space<vmem>>
    %dma_wait3A_51 = arith.constant 0 : i32
    %dma_wait3A_52 = tpu.memref_slice %arg8[%dma_wait3A_46, %dma_wait3A_51] : memref<2x128xi32, #tpu.memory_space<vmem>> -> memref<1x128xi32, #tpu.memory_space<vmem>>
    %dma_wait3A_53 = tpu.memref_squeeze %dma_wait3A_52 : memref<1x128xi32, #tpu.memory_space<vmem>> -> memref<128xi32, #tpu.memory_space<vmem>>
    %dma_wait3A_54 = arith.constant 0 : i32
    %dma_wait3A_55 = arith.constant 0 : i32
    %dma_wait3A_56 = tpu.memref_slice %arg4[%dma_wait3A_54, %dma_wait3A_55] : memref<640000x128xf32, #tpu.memory_space<hbm>> -> memref<640000x128xf32, #tpu.memory_space<hbm>>
    tpu.wait_indirect_dma semaphore(%arg11 : memref<!tpu.dma_semaphore, #tpu.memory_space<semaphore_mem>>) src(%dma_wait3A_50 : memref<128x128xf32, #tpu.memory_space<vmem>>) dst(%dma_wait3A_56 : memref<640000x128xf32, #tpu.memory_space<hbm>>)
    return
  }
}

</mosaic_0001>

<sc_bundles>
// kernel: kernel.3.cloned.1.call-start
scs
__scs_entry_jumppad:
0x0: {  	(pc) =	sbr.rel $0x88, $3  }
0x1: {  	(tag) =	ssettag $0x0;
	lr =	simm.s32 $0x1  }
0x2: {  	[smem:$0x3F9F] =	sst lr;
	_ =	strace $0xD0000000  }
0x3: {  	_ = 	snop  }
0x4: {  	_ = 	snop  }
0x5: {  	_ = 	snop  }
0x6: {  	_ = 	snop  }
0x7: {  	_ = 	snop  }
__scs_overlays_trampoline_lowered:
0x8: {  	[smem:$0x3FAE] =	sst s0  }
0x9: {  	[smem:$0x3FAF] =	sst s1  }
0xa: {  	[smem:$0x3FB0] =	sst s2  }
0xb: {  	[smem:$0x3FB1] =	sst s3  }
0xc: {  	[smem:$0x3FB2] =	sst s4  }
0xd: {  	[smem:$0x3FB3] =	sst s5  }
0xe: {  	[smem:$0x3FB4] =	sst s6  }
0xf: {  	[smem:$0x3FB5] =	sst s7  }
0x10: {  	[smem:$0x3FB6] =	sst s8  }
0x11: {  	[smem:$0x3FB7] =	sst s9;
	s0 =	simm.s32 @!p0 $0x0  }
0x12: {  	s1 =	sld [smem:$0x3F9D];
	s0 =	simm.s32 @p0 $0x1  }
0x13: {  	[smem:$0x3FB8] =	sst s0;
	s0 =	simm.s32 @!p1 $0x0  }
0x14: {  	s2 =	sld [smem:$0x3F9C];
	s0 =	simm.s32 @p1 $0x1  }
0x15: {  	[smem:$0x3FB9] =	sst s0;
	s0 =	simm.s32 @!p2 $0x0  }
0x16: {  	s3 =	sld [smem:$0x3FDB];
	s0 =	simm.s32 @p2 $0x1  }
0x17: {  	s4 =	simm.s32 $0x1BF5;
	[smem:$0x3FBB] =	sst s0  }
0x18: {  	s0 =	sld [smem:$0x3F9E];
	_ =	swait.ge [sflag:s4], $0x0  }
0x19: {  	s7 =	sld [smem:$0x3F9F]  }
0x1a: {  	s8 =	sadd.s32 $0xFFFFE003, lr  }
0x1b: {  	s9 =	sadd.s32 $0xFFFFFEF7, lr;
	s5 =	simm.s32 $0xFFFFFFFF;
	p2 =	slt.u32 s8, $0xFFFFF086  }
0x1c: {  	p1 =	slt.u32 s9, $0xF7A;
	s5 =	simm.s32 @!p2 $0x0  }
0x1d: {  	s5 =	simm.s32 @p1 $0x1;
	p0 =	seq.s32 s7, s2  }
0x1e: {  	s7 =	smul.u32 @!p0 $0xF7A, s2;
	p2 =	seq.s32 @!p0 s5, $0x0  }
0x1f: {  	s9 =	smul.u32 $0xF7A, s1;
	s8 =	simm.s32 @!p0 $0x1BF5;
	p2 =	por !p2, p0  }
0x20: {  	[sflag:s8] =	ssyncset.s32 @!p0 $0xFFFFF086;
	s6 =	sadd.s32 @!p0 s3, s7;
	s7 =	simm.s32 @!p0 $0x108  }
0x21: {  	s3 =	sadd.s32 s3, s9;
	s6 =	sadd.s32 @!p0 $0x88, s6;
	s7 =	simm.s32 @p2 $0x1082  }
0x22: {  	[simem:s7], [sflag:s8] =	dma.local @!p0 [hbm:s6], $0xF7A  }
0x23: {  	s9 =	sor.u32 $0xD0000000, s2;
	s6 =	simm.s32 $0x108;
	_ =	swait.ge @!p0 [sflag:s8], $0x0  }
0x24: {  	s3 =	sadd.s32 $0x88, s3;
	s6 =	simm.s32 @!p1 $0x1082;
	[sflag:s4] =	ssyncset.s32 $0xFFFFF086  }
0x25: {  	[simem:s6], [sflag:s4] =	dma.local [hbm:s3], $0xF7A  }
0x26: {  	[smem:$0x3F9F] =	sst s1;
	(tag) =	ssettag s2;
	_ =	strace s9  }
0x27: {  	s1 =	sld [smem:$0x3FAF]  }
0x28: {  	s2 =	sld [smem:$0x3FB0]  }
0x29: {  	s4 =	sld [smem:$0x3FB2]  }
0x2a: {  	p0 =	seq.s32 s5, $0x0;
	s5 =	sld [smem:$0x3FB3]  }
0x2b: {  	s6 =	sld [smem:$0x3FB4]  }
0x2c: {  	s7 =	sld [smem:$0x3FB5]  }
0x2d: {  	s3 =	simm.s32 $0x108;
	s8 =	sld [smem:$0x3FB6]  }
0x2e: {  	s3 =	simm.s32 @!p0 $0x1082;
	s9 =	sld [smem:$0x3FB7]  }
0x2f: {  	lr =	sadd.s32 s0, s3;
	s0 =	sld [smem:$0x3FAE]  }
0x30: {  	s3 =	sld [smem:$0x3FB1]  }
0x31: {  	[smem:$0x3FBA] =	sst s10  }
0x32: {  	s10 =	sld [smem:$0x3FB8];
	_ =	sdelay $0x3  }
0x33: {  	p0 =	seq.s32 s10, $0x1;
	s10 =	sld [smem:$0x3FBA];
	_ =	sdelay $0x3  }
0x34: {  	[smem:$0x3FBA] =	sst s10  }
0x35: {  	s10 =	sld [smem:$0x3FB9];
	_ =	sdelay $0x3  }
0x36: {  	p1 =	seq.s32 s10, $0x1;
	s10 =	sld [smem:$0x3FBA];
	_ =	sdelay $0x3  }
0x37: {  	[smem:$0x3FBA] =	sst s10  }
0x38: {  	s10 =	sld [smem:$0x3FBB]  }
0x39: {  	_ = 	snop;
	(pc) =	sbr.ind lr, $3  }
0x3a: {  	_ = 	snop  }
0x3b: {  	_ = 	snop  }
0x3c: {  	p2 =	seq.s32 s10, $0x1;
	s10 =	sld [smem:$0x3FBA]  }
0x3d: {  	_ =	shalt  }
0x3e: {  	_ =	shalt  }
0x3f: {  	_ =	shalt  }
0x40: {  	_ =	shalt  }
0x41: {  	_ =	shalt  }
0x42: {  	_ =	shalt  }
0x43: {  	_ =	shalt  }
0x44: {  	_ =	shalt  }
0x45: {  	_ =	shalt  }
0x46: {  	_ =	shalt  }
0x47: {  	_ =	shalt  }
0x48: {  	_ =	shalt  }
0x49: {  	_ =	shalt  }
0x4a: {  	_ =	shalt  }
0x4b: {  	_ =	shalt  }
0x4c: {  	_ =	shalt  }
0x4d: {  	_ =	shalt  }
0x4e: {  	_ =	shalt  }
0x4f: {  	_ =	shalt  }
0x50: {  	_ =	shalt  }
0x51: {  	_ =	shalt  }
0x52: {  	_ =	shalt  }
0x53: {  	_ =	shalt  }
0x54: {  	_ =	shalt  }
0x55: {  	_ =	shalt  }
0x56: {  	_ =	shalt  }
0x57: {  	_ =	shalt  }
0x58: {  	_ =	shalt  }
0x59: {  	_ =	shalt  }
0x5a: {  	_ =	shalt  }
0x5b: {  	_ =	shalt  }
0x5c: {  	_ =	shalt  }
0x5d: {  	_ =	shalt  }
0x5e: {  	_ =	shalt  }
0x5f: {  	_ =	shalt  }
0x60: {  	_ =	shalt  }
0x61: {  	_ =	shalt  }
0x62: {  	_ =	shalt  }
0x63: {  	_ =	shalt  }
0x64: {  	_ =	shalt  }
0x65: {  	_ =	shalt  }
0x66: {  	_ =	shalt  }
0x67: {  	_ =	shalt  }
0x68: {  	_ =	shalt  }
0x69: {  	_ =	shalt  }
0x6a: {  	_ =	shalt  }
0x6b: {  	_ =	shalt  }
0x6c: {  	_ =	shalt  }
0x6d: {  	_ =	shalt  }
0x6e: {  	_ =	shalt  }
0x6f: {  	_ =	shalt  }
0x70: {  	_ =	shalt  }
0x71: {  	_ =	shalt  }
0x72: {  	_ =	shalt  }
0x73: {  	_ =	shalt  }
0x74: {  	_ =	shalt  }
0x75: {  	_ =	shalt  }
0x76: {  	_ =	shalt  }
0x77: {  	_ =	shalt  }
0x78: {  	_ =	shalt  }
0x79: {  	_ =	shalt  }
0x7a: {  	_ =	shalt  }
0x7b: {  	_ =	shalt  }
0x7c: {  	_ =	shalt  }
0x7d: {  	_ =	shalt  }
0x7e: {  	_ =	shalt  }
0x7f: {  	_ =	shalt  }
0x80: {  	_ =	shalt  }
0x81: {  	_ =	shalt  }
0x82: {  	_ =	shalt  }
0x83: {  	_ =	shalt  }
0x84: {  	_ =	shalt  }
0x85: {  	_ =	shalt  }
0x86: {  	_ =	shalt  }
0x87: {  	_ =	shalt  }
.Lfunc_end0:
.L_simem_size_0:
called_computation_lowered:
.L_overlay_start_0:
0x88: {  	s2 =	sld [smem:$0x3FD9]  }
0x89: {  	s3 =	sld [smem:$0x3FFE];
	_ =	sdelay $0x1  }
0x8a: {  	s1 =	srdreg.scid  }
0x8b: {  	s0 =	sand.u32 $0x1, s1  }
0x8c: {  	s18 =	sshll.u32 s0, $0xA;
	s2 =	sadd.s32 s3, s2  }
0x8d: {  	s2 =	sadd.s32 s2, s18  }
0x8e: {  	[smem:$0x3FC6] =	sst s2  }
0x8f: {  	_ = 	snop  }
0x90: {  	s2 =	sld [smem:$0x3FC9]  }
0x91: {  	s19 =	sld [smem:$0x3FC8]  }
0x92: {  	s4 =	sld [smem:$0x3FD0];
	(tm) =	ssettm $0x1  }
0x93: {  	s5 =	sld [smem:$0x3FFB];
	_ =	sdelay $0x3  }
0x94: {  	_ =	strace s5  }
0x95: {  	s5 =	sld [smem:$0x3FFC];
	_ =	sdelay $0x3  }
0x96: {  	_ =	strace s5  }
0x97: {  	s5 =	sld [smem:$0x3FFD];
	_ =	sdelay $0x3  }
0x98: {  	_ =	strace s5  }
0x99: {  	_ =	strace $0x8FFFFFFF  }
0x9a: {  	s20 =	sld [smem:$0x3FDB];
	_ =	sdelay $0x1  }
0x9b: {  	s6 =	simm.s32 $_scs_section_size  }
0x9c: {  	s7 =	simm.s32 $_size__tile_overlayer_lowered;
	s8 =	simm.s32 $_tile_overlayer_lowered  }
0x9d: {  	s23 =	simm.s32 $0x1BFF;
	s22 =	sshll.u32 s8, $0x1;
	s5 =	sadd.s32 s6, s20  }
0x9e: {  	s9 =	simm.s32 $0x0;
	s21 =	sshll.u32 s7, $0x1;
	s7 =	sadd.s32 s22, s5  }
0x9f: {  	[timem:s9], [sflag:s23] =	dma.local [hbm:s7], s21  }
0xa0: {  	_ =	swait.ge [sflag:s23], s21  }
0xa1: {  	s6 =	ssub.s32 $0x0, s21;
	[sflag:s23] =	ssyncset.done $0x0  }
0xa2: {  	[sflag:s23] =	ssyncadd.s32 s6;
	_ =	sdelay $0x1  }
0xa3: {  	s24 =	simm.s32 $0x1B8B  }
0xa4: {  	_ =	swait.ge [sflag:s24], $0x1  }
0xa5: {  	[sflag:s24] =	ssyncset.done $0x0  }
0xa6: {  	s25 =	simm.s32 $0x1B8E;
	[sflag:s24] =	ssyncadd.s32 $0xFFFFFFFF  }
0xa7: {  	s26 =	simm.s32 $execute0_lowered;
	[smem:$0x3FD2] =	sst s25  }
0xa8: {  	s6 =	sshll.u32 s26, $0x1;
	_ =	strace $0x80000046;
	[dreg:$0x1] =	wrdreg $0xFFFFFFFF  }
0xa9: {  	s28 =	simm.s32 $_size_execute0_lowered;
	s5 =	sadd.s32 s5, s6;
	[dreg:$0x0] =	wrdreg $0x0  }
0xaa: {  	s6 =	sshll.u32 s28, $0x1;
	[dreg:$0x2] =	wrdreg s5  }
0xab: {  	[dreg:$0x3] =	wrdreg s6  }
0xac: {  	[dreg:$0x4] =	wrdreg $0xC0  }
0xad: {  	_ =	task [dreg:s9], $0x5FFFF  }
0xae: {  	[dreg:$0x1] =	wrdreg $0xFFFFFFFF  }
0xaf: {  	[dreg:$0x0] =	wrdreg $0x60  }
0xb0: {  	[dreg:$0x2] =	wrdreg s2  }
0xb1: {  	[dreg:$0x3] =	wrdreg s19  }
0xb2: {  	[dreg:$0x4] =	wrdreg s4  }
0xb3: {  	[dreg:$0x5] =	wrdreg $0x0  }
0xb4: {  	[dreg:$0x6] =	wrdreg $0x9  }
0xb5: {  	_ =	task.clear_ibuf [dreg:s9], $0x7FFFF;
	_ =	strace $0x90000046  }
0xb6: {  	s29 =	simm.s32 $0x9;
	_ =	strace $0x80000048  }
0xb7: {  	_ =	swait.ge [sflag:s29], $0x1  }
0xb8: {  	[sflag:s29] =	ssyncadd.s32 $0xFFFFFFFF  }
0xb9: {  	_ =	strace $0x90000048  }
0xba: {  	_ =	sfence  }
0xbb: {  	s30 =	sld [smem:$0x0];
	_ =	sdelay $0x2  }
0xbc: {  	s31 =	sshll.u32 s1, $0xD;
	s1 =	sshrl.u32 s1, $0x2  }
0xbd: {  	s3 =	sand.u32 $0x4000, s31;
	s1 =	sadd.s32 s1, s30  }
0xbe: {  	s0 =	sor.u32 s3, s0;
	s1 =	sshll.u32 s1, $0x11  }
0xbf: {  	s0 =	sor.u32 s1, s0  }
0xc0: {  	s0 =	sadd.s32 $0x8F2B, s0  }
0xc1: {  	[sflag:s0] =	ssyncadd.remote.s32 $0x1  }
0xc2: {  	_ =	sfence.sel $0xFFFF  }
0xc3: {  	[dreg:$0x0] =	wrdreg $0xFFFFFFFF;
	(pc) =	sbr.abs _section_cstart, $3  }
0xc4: {  	[dreg:$0x1] =	wrdreg $0xFFFFFFFF  }
0xc5: {  	_ =	task.clear_ibuf [dreg:s9], $0x2FFFF;
	_ =	strace $0x9FFFFFFF  }
0xc6: {  	(tm) =	ssettm $0x7FFFFFFF  }
0xc7: {  	_ =	shalt  }
tec
execute0_lowered:
.L_overlay_start_1:
0x0: {  	(tag) =	ssettag $0x1  }
0x1: {  	s5 =	rddreg [dreg:$0x0]  }
0x2: {  	s10 =	rddreg [dreg:$0x1]  }
0x3: {  	s1 =	rddreg [dreg:$0x2]  }
0x4: {  	s2 =	rddreg [dreg:$0x3];
	s3 =	srdreg.scid;
	s4 =	simm.s32 $0x0  }
0x5: {  	s11 =	sand.u32 $0x1, s3;
	s3 =	stileid.u32;
	[smem:$0x7FF] =	sst s4  }
0x6: {  	s6 =	ssub.s32 $0x2, s11;
	s8 =	smul.u32 $0x4E000, s3;
	_ =	strace $0x80000047  }
0x7: {  	s29 =	sshll.u32 s3, $0x1;
	s31 =	smul.u32 $0x2700, s3;
	p0 =	seq.s32 s3, $0xF  }
0x8: {  	s14 =	sshll.u32 s3, $0x6;
	p1 =	sgt.u32 s3, $0x1;
	s7 =	sshrl.u32 s6, $0x1  }
0x9: {  	s9 =	sor.u32 s11, s29;
	s12 =	ssub.s32 s6, s7;
	s30 =	sshrl.u32 s8, $0x2  }
0xa: {  	s5 =	sadd.s32 s5, s31;
	s6 =	simm.s32 $0x2800;
	s7 =	sor.u32 $0x1C04, s14  }
0xb: {  	s8 =	simm.s32 $0xFFFFD800;
	s15 =	sshll.u32 s9, $0x5;
	s16 =	sshll.u32 s9, $0x8  }
0xc: {  	s31 =	sshll.u32 s3, $0x9;
	s13 =	sadd.s32 s30, s2;
	s6 =	simm.s32 @!p0 $0x2700  }
0xd: {  	s8 =	simm.s32 @!p0 $0xFFFFD900;
	s9 =	sadd.s32 s10, s15;
	s0 =	sor.u32 $0x9C000, s16  }
0xe: {  	s17 =	sor.u32 $0x9C020, s16;
	s18 =	sor.u32 $0x9C040, s16;
	s19 =	sor.u32 $0x9C060, s16  }
0xf: {  	s20 =	sor.u32 $0x9C080, s16;
	s21 =	sor.u32 $0x9C0A0, s16;
	s22 =	sor.u32 $0x9C0C0, s16  }
0x10: {  	s23 =	sor.u32 $0x9C0E0, s16;
	s24 =	sor.u32 $0x9C001, s16;
	s10 =	sadd.s32 s14, s10  }
0x11: {  	v0 =	vlaneseq.u32;
	s30 =	sshll.u32 s11, $0x5;
	s11 =	sshll.u32 s11, $0x8;
	s25 =	sor.u32 $0x9C021, s16  }
0x12: {  	v0 =	vmul.u32 $0x2, v0;
	s26 =	sor.u32 $0x9C041, s16;
	s28 =	sor.u32 $0x9C061, s16;
	s29 =	sor.u32 $0x9C081, s16  }
0x13: {  	s15 =	simm.s32 $0x13880;
	p0 =	slt.u32 s3, $0x2;
	s14 =	sadd.s32 s30, s10  }
0x14: {  	s10 =	sor.u32 s11, s31;
	s30 =	sor.u32 $0x9C0A1, s16;
	v1 =	vor.u32 s0, v0;
	s31 =	sor.u32 $0x9C0C1, s16  }
.Ltmp0:
0x15: {  	s0 =	sor.u32 $0x9C0E1, s16;
	s11 =	smax.u32 s12, $0x1;
	v2 =	vor.u32 s17, v0;
	v3 =	vor.u32 s18, v0;
	v4 =	vor.u32 s19, v0;
	(pc) =	sbr.rel .LBB2_1-.Ltmp0, $4  }
0x16: {  	s13 =	sshrl.u32 s13, $0x3;
	v5 =	vor.u32 s20, v0;
	v6 =	vor.u32 s21, v0;
	v7 =	vor.u32 s22, v0;
	s16 =	simm.s32 $0x1;
	s17 =	simm.s32 $0x80  }
0x17: {  	v8 =	vor.u32 s23, v0;
	v9 =	vor.u32 s24, v0;
	v10 =	vor.u32 s25, v0;
	s18 =	simm.s32 $0x13A80;
	s19 =	simm.s32 $0x2;
	s20 =	simm.s32 $0x1BA80  }
0x18: {  	v11 =	vor.u32 s26, v0;
	v12 =	vor.u32 s28, v0;
	v13 =	vor.u32 s29, v0;
	s21 =	simm.s32 $0x17A80;
	s22 =	simm.s32 $0x1BB00;
	s23 =	simm.s32 $0x3  }
0x19: {  	s24 =	simm.s32 $0x0;
	s12 =	sadd.s32 $0x400, s14;
	s14 =	simm.s32 $0x4;
	v14 =	vor.u32 s30, v0;
	v15 =	vor.u32 s31, v0;
	v16 =	vor.u32 s0, v0  }
.LBB2_6:
0x1a: {  	s0 =	simm.s32 @!p1 $0x1  }
0x1b: {  	_ =	swait.ge @!p1 [sflag:s0], $0x100  }
0x1c: {  	[sflag:s0] =	ssyncset.done @!p1 $0x0  }
0x1d: {  	[sflag:s0] =	ssyncadd.s32 @!p1 $0xFFFFFF00;
	s0 =	simm.s32 @!p1 $0x3  }
0x1e: {  	_ =	swait.ge @!p1 [sflag:s0], $0x4000  }
0x1f: {  	s25 =	simm.s32 @!p1 $0x80;
	[sflag:s0] =	ssyncset.done @!p1 $0x0  }
0x20: {  	s26 =	simm.s32 @!p1 $0x13880;
	s28 =	simm.s32 @!p1 $0x13A80;
	[sflag:s0] =	ssyncadd.s32 @!p1 $0xFFFFC000  }
0x21: {  	[tilespmem:s28], [sflag:$0x2] =	stream.indirect.gather @!p1 [spmem:s2], $0x80, s26, s25, $0xb8;
	[tilespmem:$0x1BB80] =	vst v63  }
0x22: {  	[tilespmem:$0x1BA80] =	vst @!p1 v1  }
0x23: {  	[tilespmem:$0x1BA90] =	vst @!p1 v2  }
0x24: {  	[tilespmem:$0x1BAA0] =	vst @!p1 v3  }
0x25: {  	[tilespmem:$0x1BAB0] =	vst @!p1 v4  }
0x26: {  	[tilespmem:$0x1BAC0] =	vst @!p1 v5  }
0x27: {  	[tilespmem:$0x1BAD0] =	vst @!p1 v6  }
0x28: {  	[tilespmem:$0x1BAE0] =	vst @!p1 v7  }
0x29: {  	s26 =	simm.s32 @!p1 $0x2;
	[tilespmem:$0x1BAF0] =	vst @!p1 v8  }
0x2a: {  	_ =	swait.ge @!p1 [sflag:s26], $0x4000  }
0x2b: {  	[sflag:s26] =	ssyncset.done @!p1 $0x0  }
0x2c: {  	s29 =	simm.s32 @!p1 $0x1BA80;
	[sflag:s26] =	ssyncadd.s32 @!p1 $0xFFFFC000  }
0x2d: {  	[hbm4b:s1+s25] =	stream.indirect.scatter @!p1 [tilespmem:s28], [sflag:$0x3], $0x80, s29, s25, $0xb8;
	[tilespmem:$0x1BB80] =	vst v63  }
0x2e: {  	_ =	swait.ge @!p1 [sflag:s0], $0x4000  }
0x2f: {  	[sflag:s0] =	ssyncset.done @!p1 $0x0  }
0x30: {  	s28 =	simm.s32 @!p1 $0x17A80;
	[sflag:s0] =	ssyncadd.s32 @!p1 $0xFFFFC000;
	s0 =	simm.s32 @!p1 $0x13900  }
0x31: {  	[tilespmem:s28], [sflag:$0x2] =	stream.indirect.gather @!p1 [spmem:s2], $0x80, s0, s25, $0xb8;
	[tilespmem:$0x1BB80] =	vst v63  }
0x32: {  	[tilespmem:$0x1BB00] =	vst @!p1 v9  }
0x33: {  	[tilespmem:$0x1BB10] =	vst @!p1 v10  }
0x34: {  	[tilespmem:$0x1BB20] =	vst @!p1 v11  }
0x35: {  	[tilespmem:$0x1BB30] =	vst @!p1 v12  }
0x36: {  	[tilespmem:$0x1BB40] =	vst @!p1 v13  }
0x37: {  	[tilespmem:$0x1BB50] =	vst @!p1 v14  }
0x38: {  	[tilespmem:$0x1BB60] =	vst @!p1 v15  }
0x39: {  	[tilespmem:$0x1BB70] =	vst @!p1 v16  }
0x3a: {  	_ =	swait.ge @!p1 [sflag:s26], $0x4000  }
0x3b: {  	[sflag:s26] =	ssyncset.done @!p1 $0x0  }
0x3c: {  	s24 =	sadd.s32 $0x1, s24;
	s0 =	simm.s32 @!p1 $0x1BB00;
	[sflag:s26] =	ssyncadd.s32 @!p1 $0xFFFFC000  }
0x3d: {  	[hbm4b:s1+s25] =	stream.indirect.scatter @!p1 [tilespmem:s28], [sflag:$0x3], $0x80, s0, s25, $0xb8;
	[tilespmem:$0x1BB80] =	vst v63  }
0x3e: {  	p2 =	sne.s32 s24, s11;
	_ =	swait.ge [sflag:s23], $0x4000  }
.Ltmp1:
0x3f: {  	[sflag:s23] =	ssyncset.done $0x0;
	(pc) =	sbr.rel @!p2 .LBB2_7-.Ltmp1, $4  }
0x40: {  	[sflag:s23] =	ssyncadd.s32 $0xFFFFC000  }
0x41: {  	_ =	swait.ge [sflag:s23], $0x4000  }
0x42: {  	[sflag:s23] =	ssyncset.done $0x0  }
0x43: {  	[sflag:s23] =	ssyncadd.s32 $0xFFFFC000  }
.LBB2_1:
0x44: {  	[spmem:s13], [sflag:s7] =	dma.local [hbm:s5], s6  }
0x45: {  	_ =	swait.ge [sflag:s14], s6  }
.Ltmp2:
0x46: {  	[sflag:s14] =	ssyncset.done $0x0;
	(pc) =	sbr.rel .LBB2_2-.Ltmp2, $4  }
0x47: {  	[sflag:s14] =	ssyncadd.s32 s8  }
0x48: {  	[tilespmem:s15], [sflag:$0x1] =	stream.linear.gather [hbm4b:s9+s4], $0x100, $0x38;
	[tilespmem:$0x1BB80] =	vst v63  }
0x49: {  	[bflag:$0x0] =	sbarrier.arrive $0xFFFF  }
0x4a: {  	s25 =	smov.u32 s12;
	s26 =	simm.s32 $0x0;
	s28 =	simm.s32 $0x0  }
.LBB2_4:
0x4b: {  	_ =	swait.ge [sflag:s23], $0x4000  }
0x4c: {  	[sflag:s23] =	ssyncset.done $0x0  }
0x4d: {  	p2 =	por $0x0, $0x0;
	[sflag:s23] =	ssyncadd.s32 $0xFFFFC000  }
.LBB2_5:
0x4e: {  	s0 =	sshll.u32 s29, $0x8  }
0x4f: {  	s29 =	sor.u32 $0x13880, s0  }
0x50: {  	[tilespmem:s18], [sflag:$0x2] =	stream.indirect.gather [spmem:s2], $0x80, s29, s17, $0xb8;
	[tilespmem:$0x1BB80] =	vst v63  }
0x51: {  	s29 =	sadd.s32 s26, s10  }
0x52: {  	v17 =	vor.u32 s29, v0;
	s30 =	sadd.s32 $0x20, s29  }
0x53: {  	s31 =	sadd.s32 $0x40, s29;
	[tilespmem:$0x1BA80] =	vst v17;
	v17 =	vor.u32 s30, v0  }
0x54: {  	[tilespmem:$0x1BA90] =	vst v17;
	v17 =	vor.u32 s31, v0;
	s31 =	sadd.s32 $0x60, s29  }
0x55: {  	[tilespmem:$0x1BAA0] =	vst v17;
	v17 =	vor.u32 s31, v0;
	s31 =	sadd.s32 $0x80, s29  }
0x56: {  	[tilespmem:$0x1BAB0] =	vst v17;
	v17 =	vor.u32 s31, v0;
	s31 =	sadd.s32 $0xA0, s29  }
0x57: {  	[tilespmem:$0x1BAC0] =	vst v17;
	v17 =	vor.u32 s31, v0;
	s31 =	sadd.s32 $0xC0, s29  }
0x58: {  	[tilespmem:$0x1BAD0] =	vst v17;
	v17 =	vor.u32 s31, v0;
	s31 =	sadd.s32 $0xE0, s29  }
0x59: {  	[tilespmem:$0x1BAE0] =	vst v17;
	v17 =	vor.u32 s31, v0  }
0x5a: {  	[tilespmem:$0x1BAF0] =	vst v17  }
0x5b: {  	_ =	swait.ge [sflag:s19], $0x4000  }
0x5c: {  	[sflag:s19] =	ssyncset.done $0x0  }
0x5d: {  	s30 =	simm.s32 @!p2 $0x3;
	[sflag:s19] =	ssyncadd.s32 $0xFFFFC000  }
0x5e: {  	[hbm4b:s1+s17] =	stream.indirect.scatter [tilespmem:s18], [sflag:$0x3], $0x80, s20, s17, $0xb8;
	[tilespmem:$0x1BB80] =	vst v63  }
0x5f: {  	_ =	swait.ge @!p2 [sflag:s30], $0x4000  }
0x60: {  	s0 =	sadd.s32 $0x13900, s0;
	[sflag:s30] =	ssyncset.done @!p2 $0x0  }
0x61: {  	s31 =	sadd.s32 $0x21, s29;
	[sflag:s30] =	ssyncadd.s32 @!p2 $0xFFFFC000;
	s30 =	sadd.s32 $0x1, s29  }
0x62: {  	[tilespmem:s21], [sflag:$0x2] =	stream.indirect.gather [spmem:s2], $0x80, s0, s17, $0xb8;
	v17 =	vor.u32 s30, v0;
	[tilespmem:$0x1BB80] =	vst v63  }
0x63: {  	s30 =	sadd.s32 $0x41, s29;
	[tilespmem:$0x1BB00] =	vst v17;
	v17 =	vor.u32 s31, v0  }
0x64: {  	s31 =	sadd.s32 $0x61, s29;
	[tilespmem:$0x1BB10] =	vst v17;
	v17 =	vor.u32 s30, v0  }
0x65: {  	s30 =	sadd.s32 $0x81, s29;
	[tilespmem:$0x1BB20] =	vst v17;
	v17 =	vor.u32 s31, v0  }
0x66: {  	s31 =	sadd.s32 $0xA1, s29;
	[tilespmem:$0x1BB30] =	vst v17;
	v17 =	vor.u32 s30, v0  }
0x67: {  	s30 =	sadd.s32 $0xC1, s29;
	[tilespmem:$0x1BB40] =	vst v17;
	v17 =	vor.u32 s31, v0  }
0x68: {  	s26 =	sadd.s32 $0x2000, s26;
	s31 =	sadd.s32 $0xE1, s29;
	[tilespmem:$0x1BB50] =	vst v17;
	v17 =	vor.u32 s30, v0  }
0x69: {  	p2 =	sne.s32 s26, $0x9C000;
	[tilespmem:$0x1BB60] =	vst v17;
	v17 =	vor.u32 s31, v0  }
.Ltmp3:
0x6a: {  	[tilespmem:$0x1BB70] =	vst v17;
	(pc) =	sbr.rel @!p2 .LBB2_6-.Ltmp3, $4  }
0x6b: {  	_ =	swait.ge [sflag:s19], $0x4000  }
0x6c: {  	[sflag:s19] =	ssyncset.done $0x0  }
0x6d: {  	s28 =	sadd.s32 $0x1, s28;
	s25 =	sadd.s32 $0x400, s25;
	[sflag:s19] =	ssyncadd.s32 $0xFFFFC000  }
0x6e: {  	[hbm4b:s1+s17] =	stream.indirect.scatter [tilespmem:s21], [sflag:$0x3], $0x80, s22, s17, $0xb8;
	[tilespmem:$0x1BB80] =	vst v63  }
.LBB2_2:
0x6f: {  	p2 =	seq.s32 @!p0 s26, $0x9A000  }
0x70: {  	p2 =	por p0, !p2  }
0x71: {  	p3 =	seq.s32 @p2 s26, $0x0  }
0x72: {  	p3 =	por !p2, !p3  }
.Ltmp4:
0x73: {  	_ = 	snop;
	(pc) =	sbr.rel @p3 .LBB2_4-.Ltmp4, $4  }
0x74: {  	s29 =	sand.u32 $0x1, s28;
	_ =	swait.ge [sflag:s16], $0x100  }
0x75: {  	[sflag:s16] =	ssyncset.done $0x0;
	s0 =	sshll.u32 @p2 s29, $0x8  }
0x76: {  	[sflag:s16] =	ssyncadd.s32 $0xFFFFFF00;
	s30 =	simm.s32 @p2 $0x0;
	s0 =	sxor.u32 @p2 $0x13980, s0  }
0x77: {  	[tilespmem:s0], [sflag:$0x1] =	stream.linear.gather @p2 [hbm4b:s25+s30], $0x100, $0x38;
	[tilespmem:$0x1BB80] =	vst v63  }
.Ltmp5:
0x78: {  	(pc) =	sbr.rel .LBB2_5-.Ltmp5, $2  }
0x79: {  	_ =	sdelay $0x2  }
0x7a: {  	p2 =	por @p2 $0x1, $0x1  }
.LBB2_7:
0x7b: {  	_ =	sfence.sel $0x180000  }
0x7c: {  	[bflag:$0x0] =	sbarrier.arrive $0xFFFF  }
0x7d: {  	_ =	strace $0x90000047  }
0x7e: {  	[bflag:$0x2] =	sbarrier.arrive $0xFFFF  }
0x7f: {  	p0 =	sne.s32 s3, $0x0;
	s0 =	rddreg [dreg:$0x4]  }
0x80: {  	s0 =	sadd.s32 @!p0 $0x100000, s0  }
0x81: {  	[sflag:s0] =	ssyncadd.tile.s32 @!p0 $0x1;
	_ =	shalt  }
.Lfunc_end2:
_tile_overlayer_lowered:
.L_overlay_start_2:
0x82: {  	(tag) =	ssettag $0x2  }
0x83: {  	s0 =	rddreg [dreg:$0x0];
	s2 =	stileid.u32  }
0x84: {  	s1 =	rddreg [dreg:$0x1];
	p0 =	sne.s32 s2, $0x0  }
0x85: {  	s3 =	rddreg [dreg:$0x2];
	[bflag:$0x3] =	sbarrier.arrive $0xFFFF;
	s2 =	simm.s32 @!p0 $0x1C04  }
0x86: {  	[timem:s3], [sflag:s2] =	dma.local @!p0 [hbm:s0], s1  }
0x87: {  	s0 =	simm.s32 @!p0 $0x4  }
0x88: {  	_ =	swait.ge @!p0 [sflag:s0], s1  }
0x89: {  	s1 =	ssub.s32 @!p0 $0x0, s1;
	[sflag:s0] =	ssyncset.done @!p0 $0x0  }
0x8a: {  	[sflag:s0] =	ssyncadd.s32 @!p0 s1  }
0x8b: {  	[bflag:$0x3] =	sbarrier.arrive $0xFFFF  }
0x8c: {  	_ =	shalt  }

</sc_bundles>
